<compile_context>
chip_gen: v7x
topology: tpu7x:2x2x1
jax: 0.10.2.dev20260603
libtpu: 0.0.44.dev20260713+nightly
codegen_flags: <defaults>
</compile_context>

<pallas_src>
import functools

import jax
import jax.numpy as jnp
from jax import lax
from jax.experimental import pallas as pl
from jax.experimental.pallas import tpu as pltpu
from jax.experimental.pallas import tpu_sc as plsc

N_NODES = 10000
N_PAD = 10112
D_FEAT = 128
EMBED = 128
NC, NS = 2, 16
NW = NC * NS
CHUNK = 128
DEG_W = 16
ROWS_PER_TILE = N_PAD // NS
ZSLICES = [128, 128, 128, 128, 120]

_MESH = plsc.VectorSubcoreMesh(core_axis_name="c", subcore_axis_name="s",
                               num_cores=NC, num_subcores=NS)
_SC_PARAMS = pltpu.CompilerParams(needs_layout_passes=False,
                                  use_tc_tiling_on_sc=False)


def _sc_segment_sum(x, src1d, dst1d):
    n_chunks = src1d.shape[0] // CHUNK
    zrows_host = jnp.zeros((CHUNK, D_FEAT), jnp.float32)
    ones_host = jnp.ones((CHUNK, DEG_W), jnp.float32)
    zdeg_host = jnp.zeros((CHUNK, DEG_W), jnp.float32)

    @functools.partial(
        pl.kernel,
        out_type=(
            jax.ShapeDtypeStruct((NC * N_PAD, D_FEAT), jnp.float32),
            jax.ShapeDtypeStruct((NC * N_PAD, DEG_W), jnp.float32),
        ),
        mesh=_MESH,
        scratch_types=(
            pltpu.VMEM((CHUNK,), jnp.int32),
            pltpu.VMEM((CHUNK,), jnp.int32),
            pltpu.VMEM((CHUNK,), jnp.int32),
            pltpu.VMEM((CHUNK,), jnp.int32),
            pltpu.VMEM((CHUNK, D_FEAT), jnp.float32),
            pltpu.VMEM((CHUNK, D_FEAT), jnp.float32),
            pltpu.VMEM((CHUNK, DEG_W), jnp.float32),
            pltpu.VMEM((CHUNK, DEG_W), jnp.float32),
            pltpu.VMEM_SHARED((N_PAD, D_FEAT), jnp.float32),
            pltpu.VMEM_SHARED((N_PAD, DEG_W), jnp.float32),
            pltpu.SemaphoreType.DMA,
            pltpu.SemaphoreType.DMA,
            pltpu.SemaphoreType.DMA,
            pltpu.SemaphoreType.DMA,
        ),
        compiler_params=_SC_PARAMS,
    )
    def sc_fn(x_hbm, zrows_hbm, ones_hbm, zdeg_hbm, src_hbm, dst_hbm,
              nsum_hbm, deg_hbm,
              src0, src1, dst0, dst1, rows0, rows1, ones_v, zdeg_v,
              acc_sh, dacc_sh, sem0, sem1, isem0, isem1):
        cid = lax.axis_index("c")
        sid = lax.axis_index("s")
        wid = sid * NC + cid

        pltpu.sync_copy(zrows_hbm, rows0)
        pltpu.sync_copy(ones_hbm, ones_v)
        pltpu.sync_copy(zdeg_hbm, zdeg_v)
        base = sid * ROWS_PER_TILE
        off = 0
        for zr in ZSLICES:
            pltpu.sync_copy(rows0.at[pl.ds(0, zr)],
                            acc_sh.at[pl.ds(base + off, zr)])
            pltpu.sync_copy(zdeg_v.at[pl.ds(0, zr)],
                            dacc_sh.at[pl.ds(base + off, zr)])
            off += zr
        plsc.subcore_barrier()

        n_i = (n_chunks - wid + NW - 1) // NW
        bufs = ((src0, dst0, rows0, sem0, isem0),
                (src1, dst1, rows1, sem1, isem1))

        def _load_idx_async(k, sbuf, dbuf, isem):
            ci = wid + k * NW
            pltpu.async_copy(src_hbm.at[pl.ds(ci * CHUNK, CHUNK)], sbuf, isem)
            pltpu.async_copy(dst_hbm.at[pl.ds(ci * CHUNK, CHUNK)], dbuf, isem)

        def _wait_idx(sbuf, dbuf, isem):
            pltpu.make_async_copy(src_hbm.at[pl.ds(0, CHUNK)], sbuf,
                                  isem).wait()
            pltpu.make_async_copy(dst_hbm.at[pl.ds(0, CHUNK)], dbuf,
                                  isem).wait()

        @pl.when(n_i > 0)
        def _prologue():
            pltpu.sync_copy(src_hbm.at[pl.ds(wid * CHUNK, CHUNK)], src0)
            pltpu.sync_copy(dst_hbm.at[pl.ds(wid * CHUNK, CHUNK)], dst0)
            pltpu.async_copy(x_hbm.at[src0], rows0, sem0)

            @pl.when(n_i > 1)
            def _():
                _load_idx_async(1, src1, dst1, isem1)

        def body(k2, _):
            for b in (0, 1):
                k = 2 * k2 + b
                sbuf, dbuf, rbuf, sem, isem = bufs[b]
                nsbuf, ndbuf, nrbuf, nsem, nisem = bufs[1 - b]
                pltpu.make_async_copy(x_hbm.at[sbuf], rbuf, sem).wait()

                @pl.when(k + 1 < n_i)
                def _start_next_gather():
                    _wait_idx(nsbuf, ndbuf, nisem)
                    pltpu.async_copy(x_hbm.at[nsbuf], nrbuf, nsem)

                pltpu.sync_copy(rbuf, acc_sh.at[dbuf], add=True)
                pltpu.sync_copy(ones_v, dacc_sh.at[dbuf], add=True)

                @pl.when(k + 2 < n_i)
                def _prefetch_idx():
                    _load_idx_async(k + 2, sbuf, dbuf, isem)
            return 0

        lax.fori_loop(0, n_i // 2, body, 0)

        @pl.when(n_i % 2 == 1)
        def _tail():
            pltpu.make_async_copy(x_hbm.at[src0], rows0, sem0).wait()
            pltpu.sync_copy(rows0, acc_sh.at[dst0], add=True)
            pltpu.sync_copy(ones_v, dacc_sh.at[dst0], add=True)

        plsc.subcore_barrier()

        pltpu.sync_copy(acc_sh.at[pl.ds(base, ROWS_PER_TILE)],
                        nsum_hbm.at[pl.ds(cid * N_PAD + base, ROWS_PER_TILE)])
        pltpu.sync_copy(dacc_sh.at[pl.ds(base, ROWS_PER_TILE)],
                        deg_hbm.at[pl.ds(cid * N_PAD + base, ROWS_PER_TILE)])

    return sc_fn(x, zrows_host, ones_host, zdeg_host, src1d, dst1d)


def _tc_combine(x, psum2, deg2, wt, wb):
    blk = 1000

    def body(x_ref, p_ref, d_ref, wt_ref, wb_ref, o_ref):
        p = p_ref[0] + p_ref[1]
        deg = d_ref[0][:, 0:1] + d_ref[1][:, 0:1]
        mean = p / jnp.maximum(deg, 1.0)
        acc = jnp.dot(x_ref[...], wt_ref[...],
                      preferred_element_type=jnp.float32)
        acc += jnp.dot(mean, wb_ref[...], preferred_element_type=jnp.float32)
        o_ref[...] = jnp.maximum(acc, 0.0)

    return pl.pallas_call(
        body,
        grid=(N_NODES // blk,),
        in_specs=[
            pl.BlockSpec((blk, D_FEAT), lambda i: (i, 0)),
            pl.BlockSpec((2, blk, D_FEAT), lambda i: (0, i, 0)),
            pl.BlockSpec((2, blk, DEG_W), lambda i: (0, i, 0)),
            pl.BlockSpec((D_FEAT, EMBED), lambda i: (0, 0)),
            pl.BlockSpec((D_FEAT, EMBED), lambda i: (0, 0)),
        ],
        out_specs=pl.BlockSpec((blk, EMBED), lambda i: (i, 0)),
        out_shape=jax.ShapeDtypeStruct((N_NODES, EMBED), jnp.float32),
    )(x, psum2, deg2, wt, wb)


def kernel(x, edge_index, W_enc):
    ei = edge_index.astype(jnp.int32)
    nsum, deg = _sc_segment_sum(x, ei[0], ei[1])
    psum2 = nsum.reshape(NC, N_PAD, D_FEAT)
    deg2 = deg.reshape(NC, N_PAD, DEG_W)
    wt = W_enc[:, :D_FEAT].T
    wb = W_enc[:, D_FEAT:].T
    out = _tc_combine(x, psum2, deg2, wt, wb)
    return out[:, None, :]

# --- scband reference (transcript-rebuilt; emitter-appended) ---
"""Pipeline reference for scband-supervised-graph-sage-32882269618858 (READ-ONLY COPY).

The authoritative reference and input builder live on the scoring server;
editing this copy changes nothing except your own understanding.
"""

import jax, jax.numpy as jnp
import numpy as np

N_NODES = 10000
N_EDGES = 320000
D_FEAT = 128
EMBED_DIM = 128

def setup_inputs(seed: int = 0) -> dict:
    key = jax.random.key(seed)
    k1, k2, k3 = jax.random.split(key, 3)
    x = jax.random.normal(k1, (N_NODES, D_FEAT), dtype=jnp.float32)
    edge_index = jax.random.randint(k2, (2, N_EDGES), 0, N_NODES, dtype=jnp.int64)
    # GraphSage mean-aggregator encoder weight: [embed_dim, 2*feat_dim] (self || neigh concat)
    limit = float(np.sqrt(6.0 / (EMBED_DIM + 2 * D_FEAT)))
    W_enc = jax.random.uniform(k3, (EMBED_DIM, 2 * D_FEAT), dtype=jnp.float32, minval=-limit, maxval=limit)
    return {"x": x, "edge_index": edge_index, "W_enc": W_enc}

def reference(x, edge_index, W_enc):
    # enc(adjs): GraphSage mean aggregation over incoming edges, concat with self feats,
    # linear projection + ReLU; encoder returns [embed_dim, num_nodes] (GraphSage convention).
    src = edge_index[0]
    dst = edge_index[1]
    gathered = jnp.take(x, src, axis=0)                       # [E, d] gather
    neigh_sum = jax.ops.segment_sum(gathered, dst, num_segments=N_NODES)  # [N, d] scatter-add
    deg = jax.ops.segment_sum(jnp.ones((N_EDGES,), dtype=jnp.float32), dst, num_segments=N_NODES)
    neigh_mean = neigh_sum / jnp.maximum(deg, 1.0)[:, None]
    combined = jnp.concatenate([x, neigh_mean], axis=1)       # [N, 2d]
    enc_out = jax.nn.relu(combined @ W_enc.T).T               # [embed_dim, N]
    # SupervisedGraphSage.forward: embeds.transpose(0,1).unsqueeze(1)
    embeds = enc_out.T                                        # [N, embed_dim]
    embeds = embeds[:, None, :]                               # [N, 1, embed_dim]
    return embeds

if __name__ == "__main__":
    import jax
    _d = setup_inputs()
    print(jax.jit(kernel)(*tuple(_d.values())))

</pallas_src>

<mosaic_0001>
#map = affine_map<(d0, d1) -> (0, 0)>
#map1 = affine_map<(d0, d1) -> (0)>
module attributes {stable_mosaic.version = 14 : i64} {
  func.func @sc_fn(%arg0: i32, %arg1: i32, %arg2: memref<10000x128xf32, #tpu.memory_space<hbm>>, %arg3: memref<128x128xf32, #tpu.memory_space<hbm>>, %arg4: memref<128x16xf32, #tpu.memory_space<hbm>>, %arg5: memref<128x16xf32, #tpu.memory_space<hbm>>, %arg6: memref<320000xi32, #tpu.memory_space<hbm>>, %arg7: memref<320000xi32, #tpu.memory_space<hbm>>, %arg8: memref<20224x128xf32, #tpu.memory_space<hbm>>, %arg9: memref<20224x16xf32, #tpu.memory_space<hbm>>, %arg10: memref<128xi32, #tpu.memory_space<vmem>>, %arg11: memref<128xi32, #tpu.memory_space<vmem>>, %arg12: memref<128xi32, #tpu.memory_space<vmem>>, %arg13: memref<128xi32, #tpu.memory_space<vmem>>, %arg14: memref<128x128xf32, #tpu.memory_space<vmem>>, %arg15: memref<128x128xf32, #tpu.memory_space<vmem>>, %arg16: memref<128x16xf32, #tpu.memory_space<vmem>>, %arg17: memref<128x16xf32, #tpu.memory_space<vmem>>, %arg18: memref<10112x128xf32, #tpu.memory_space<vmem_shared>>, %arg19: memref<10112x16xf32, #tpu.memory_space<vmem_shared>>, %arg20: memref<!tpu.dma_semaphore, #tpu.memory_space<semaphore_mem>>, %arg21: memref<!tpu.dma_semaphore, #tpu.memory_space<semaphore_mem>>, %arg22: memref<!tpu.dma_semaphore, #tpu.memory_space<semaphore_mem>>, %arg23: memref<!tpu.dma_semaphore, #tpu.memory_space<semaphore_mem>>) attributes {dimension_semantics = [#tpu.dimension_semantics<core_parallel>, #tpu.dimension_semantics<subcore_parallel>], iteration_bounds = array<i64: 2, 16>, scalar_prefetch = 0 : i64, scratch_operands = 14 : i64, tpu.core_type = #tpu.core_type<sc_vector_subcore>, window_params = [{transform_indices = #map}, {transform_indices = #map}, {transform_indices = #map}, {transform_indices = #map}, {transform_indices = #map1}, {transform_indices = #map1}, {transform_indices = #map}, {transform_indices = #map}]} {
    %mul3A = arith.constant 2 : i32
    %mul3A_0 = arith.muli %arg1, %mul3A : i32
    %add3A = arith.addi %mul3A_0, %arg0 : i32
    "tpu.region"() ({
      %run_scoped3A = tpu.sem_alloc : memref<!tpu.dma_semaphore, #tpu.memory_space<semaphore_mem>>
      tpu.enqueue_dma source(%arg3 : memref<128x128xf32, #tpu.memory_space<hbm>>) target(%arg14 : memref<128x128xf32, #tpu.memory_space<vmem>>) target_semaphore(%run_scoped3A : memref<!tpu.dma_semaphore, #tpu.memory_space<semaphore_mem>>)
      tpu.wait_dma2 semaphore(%run_scoped3A : memref<!tpu.dma_semaphore, #tpu.memory_space<semaphore_mem>>) src(%arg3 : memref<128x128xf32, #tpu.memory_space<hbm>>) dst(%arg14 : memref<128x128xf32, #tpu.memory_space<vmem>>)
      tpu.yield
    }) : () -> ()
    "tpu.region"() ({
      %run_scoped3A = tpu.sem_alloc : memref<!tpu.dma_semaphore, #tpu.memory_space<semaphore_mem>>
      tpu.enqueue_dma source(%arg4 : memref<128x16xf32, #tpu.memory_space<hbm>>) target(%arg16 : memref<128x16xf32, #tpu.memory_space<vmem>>) target_semaphore(%run_scoped3A : memref<!tpu.dma_semaphore, #tpu.memory_space<semaphore_mem>>)
      tpu.wait_dma2 semaphore(%run_scoped3A : memref<!tpu.dma_semaphore, #tpu.memory_space<semaphore_mem>>) src(%arg4 : memref<128x16xf32, #tpu.memory_space<hbm>>) dst(%arg16 : memref<128x16xf32, #tpu.memory_space<vmem>>)
      tpu.yield
    }) : () -> ()
    "tpu.region"() ({
      %run_scoped3A = tpu.sem_alloc : memref<!tpu.dma_semaphore, #tpu.memory_space<semaphore_mem>>
      tpu.enqueue_dma source(%arg5 : memref<128x16xf32, #tpu.memory_space<hbm>>) target(%arg17 : memref<128x16xf32, #tpu.memory_space<vmem>>) target_semaphore(%run_scoped3A : memref<!tpu.dma_semaphore, #tpu.memory_space<semaphore_mem>>)
      tpu.wait_dma2 semaphore(%run_scoped3A : memref<!tpu.dma_semaphore, #tpu.memory_space<semaphore_mem>>) src(%arg5 : memref<128x16xf32, #tpu.memory_space<hbm>>) dst(%arg17 : memref<128x16xf32, #tpu.memory_space<vmem>>)
      tpu.yield
    }) : () -> ()
    %mul3A_1 = arith.constant 632 : i32
    %mul3A_2 = arith.muli %arg1, %mul3A_1 : i32
    %add3A_3 = arith.constant 0 : i32
    %add3A_4 = arith.addi %mul3A_2, %add3A_3 : i32
    "tpu.region"() ({
      %run_scoped3A = tpu.sem_alloc : memref<!tpu.dma_semaphore, #tpu.memory_space<semaphore_mem>>
      %dma_start3A = arith.constant 0 : i32
      %dma_start3A_108 = arith.constant 0 : i32
      %dma_start3A_109 = tpu.memref_slice %arg14[%dma_start3A, %dma_start3A_108] : memref<128x128xf32, #tpu.memory_space<vmem>> -> memref<128x128xf32, #tpu.memory_space<vmem>>
      %dma_start3A_110 = arith.constant 0 : i32
      %dma_start3A_111 = tpu.memref_slice %arg18[%add3A_4, %dma_start3A_110] : memref<10112x128xf32, #tpu.memory_space<vmem_shared>> -> memref<128x128xf32, #tpu.memory_space<vmem_shared>>
      %dma_start3A_112 = arith.constant 0 : i32
      %dma_start3A_113 = tpu.memref_slice %arg18[%add3A_4, %dma_start3A_112] : memref<10112x128xf32, #tpu.memory_space<vmem_shared>> -> memref<128x128xf32, #tpu.memory_space<vmem_shared>>
      %dma_start3A_114 = arith.constant 0 : i32
      %dma_start3A_115 = arith.constant 0 : i32
      %dma_start3A_116 = tpu.memref_slice %arg14[%dma_start3A_114, %dma_start3A_115] : memref<128x128xf32, #tpu.memory_space<vmem>> -> memref<128x128xf32, #tpu.memory_space<vmem>>
      tpu.enqueue_dma source(%dma_start3A_116 : memref<128x128xf32, #tpu.memory_space<vmem>>) target(%dma_start3A_113 : memref<128x128xf32, #tpu.memory_space<vmem_shared>>) target_semaphore(%run_scoped3A : memref<!tpu.dma_semaphore, #tpu.memory_space<semaphore_mem>>)
      %dma_wait3A = arith.constant 0 : i32
      %dma_wait3A_117 = arith.constant 0 : i32
      %dma_wait3A_118 = tpu.memref_slice %arg14[%dma_wait3A, %dma_wait3A_117] : memref<128x128xf32, #tpu.memory_space<vmem>> -> memref<128x128xf32, #tpu.memory_space<vmem>>
      %dma_wait3A_119 = arith.constant 0 : i32
      %dma_wait3A_120 = tpu.memref_slice %arg18[%add3A_4, %dma_wait3A_119] : memref<10112x128xf32, #tpu.memory_space<vmem_shared>> -> memref<128x128xf32, #tpu.memory_space<vmem_shared>>
      %dma_wait3A_121 = arith.constant 0 : i32
      %dma_wait3A_122 = tpu.memref_slice %arg18[%add3A_4, %dma_wait3A_121] : memref<10112x128xf32, #tpu.memory_space<vmem_shared>> -> memref<128x128xf32, #tpu.memory_space<vmem_shared>>
      %dma_wait3A_123 = arith.constant 0 : i32
      %dma_wait3A_124 = arith.constant 0 : i32
      %dma_wait3A_125 = tpu.memref_slice %arg14[%dma_wait3A_123, %dma_wait3A_124] : memref<128x128xf32, #tpu.memory_space<vmem>> -> memref<128x128xf32, #tpu.memory_space<vmem>>
      tpu.wait_dma2 semaphore(%run_scoped3A : memref<!tpu.dma_semaphore, #tpu.memory_space<semaphore_mem>>) src(%dma_wait3A_125 : memref<128x128xf32, #tpu.memory_space<vmem>>) dst(%dma_wait3A_122 : memref<128x128xf32, #tpu.memory_space<vmem_shared>>)
      tpu.yield
    }) : () -> ()
    %add3A_5 = arith.constant 0 : i32
    %add3A_6 = arith.addi %mul3A_2, %add3A_5 : i32
    "tpu.region"() ({
      %run_scoped3A = tpu.sem_alloc : memref<!tpu.dma_semaphore, #tpu.memory_space<semaphore_mem>>
      %dma_start3A = arith.constant 0 : i32
      %dma_start3A_108 = arith.constant 0 : i32
      %dma_start3A_109 = tpu.memref_slice %arg17[%dma_start3A, %dma_start3A_108] : memref<128x16xf32, #tpu.memory_space<vmem>> -> memref<128x16xf32, #tpu.memory_space<vmem>>
      %dma_start3A_110 = arith.constant 0 : i32
      %dma_start3A_111 = tpu.memref_slice %arg19[%add3A_6, %dma_start3A_110] : memref<10112x16xf32, #tpu.memory_space<vmem_shared>> -> memref<128x16xf32, #tpu.memory_space<vmem_shared>>
      %dma_start3A_112 = arith.constant 0 : i32
      %dma_start3A_113 = tpu.memref_slice %arg19[%add3A_6, %dma_start3A_112] : memref<10112x16xf32, #tpu.memory_space<vmem_shared>> -> memref<128x16xf32, #tpu.memory_space<vmem_shared>>
      %dma_start3A_114 = arith.constant 0 : i32
      %dma_start3A_115 = arith.constant 0 : i32
      %dma_start3A_116 = tpu.memref_slice %arg17[%dma_start3A_114, %dma_start3A_115] : memref<128x16xf32, #tpu.memory_space<vmem>> -> memref<128x16xf32, #tpu.memory_space<vmem>>
      tpu.enqueue_dma source(%dma_start3A_116 : memref<128x16xf32, #tpu.memory_space<vmem>>) target(%dma_start3A_113 : memref<128x16xf32, #tpu.memory_space<vmem_shared>>) target_semaphore(%run_scoped3A : memref<!tpu.dma_semaphore, #tpu.memory_space<semaphore_mem>>)
      %dma_wait3A = arith.constant 0 : i32
      %dma_wait3A_117 = arith.constant 0 : i32
      %dma_wait3A_118 = tpu.memref_slice %arg17[%dma_wait3A, %dma_wait3A_117] : memref<128x16xf32, #tpu.memory_space<vmem>> -> memref<128x16xf32, #tpu.memory_space<vmem>>
      %dma_wait3A_119 = arith.constant 0 : i32
      %dma_wait3A_120 = tpu.memref_slice %arg19[%add3A_6, %dma_wait3A_119] : memref<10112x16xf32, #tpu.memory_space<vmem_shared>> -> memref<128x16xf32, #tpu.memory_space<vmem_shared>>
      %dma_wait3A_121 = arith.constant 0 : i32
      %dma_wait3A_122 = tpu.memref_slice %arg19[%add3A_6, %dma_wait3A_121] : memref<10112x16xf32, #tpu.memory_space<vmem_shared>> -> memref<128x16xf32, #tpu.memory_space<vmem_shared>>
      %dma_wait3A_123 = arith.constant 0 : i32
      %dma_wait3A_124 = arith.constant 0 : i32
      %dma_wait3A_125 = tpu.memref_slice %arg17[%dma_wait3A_123, %dma_wait3A_124] : memref<128x16xf32, #tpu.memory_space<vmem>> -> memref<128x16xf32, #tpu.memory_space<vmem>>
      tpu.wait_dma2 semaphore(%run_scoped3A : memref<!tpu.dma_semaphore, #tpu.memory_space<semaphore_mem>>) src(%dma_wait3A_125 : memref<128x16xf32, #tpu.memory_space<vmem>>) dst(%dma_wait3A_122 : memref<128x16xf32, #tpu.memory_space<vmem_shared>>)
      tpu.yield
    }) : () -> ()
    %add3A_7 = arith.constant 128 : i32
    %add3A_8 = arith.addi %mul3A_2, %add3A_7 : i32
    "tpu.region"() ({
      %run_scoped3A = tpu.sem_alloc : memref<!tpu.dma_semaphore, #tpu.memory_space<semaphore_mem>>
      %dma_start3A = arith.constant 0 : i32
      %dma_start3A_108 = arith.constant 0 : i32
      %dma_start3A_109 = tpu.memref_slice %arg14[%dma_start3A, %dma_start3A_108] : memref<128x128xf32, #tpu.memory_space<vmem>> -> memref<128x128xf32, #tpu.memory_space<vmem>>
      %dma_start3A_110 = arith.constant 0 : i32
      %dma_start3A_111 = tpu.memref_slice %arg18[%add3A_8, %dma_start3A_110] : memref<10112x128xf32, #tpu.memory_space<vmem_shared>> -> memref<128x128xf32, #tpu.memory_space<vmem_shared>>
      %dma_start3A_112 = arith.constant 0 : i32
      %dma_start3A_113 = tpu.memref_slice %arg18[%add3A_8, %dma_start3A_112] : memref<10112x128xf32, #tpu.memory_space<vmem_shared>> -> memref<128x128xf32, #tpu.memory_space<vmem_shared>>
      %dma_start3A_114 = arith.constant 0 : i32
      %dma_start3A_115 = arith.constant 0 : i32
      %dma_start3A_116 = tpu.memref_slice %arg14[%dma_start3A_114, %dma_start3A_115] : memref<128x128xf32, #tpu.memory_space<vmem>> -> memref<128x128xf32, #tpu.memory_space<vmem>>
      tpu.enqueue_dma source(%dma_start3A_116 : memref<128x128xf32, #tpu.memory_space<vmem>>) target(%dma_start3A_113 : memref<128x128xf32, #tpu.memory_space<vmem_shared>>) target_semaphore(%run_scoped3A : memref<!tpu.dma_semaphore, #tpu.memory_space<semaphore_mem>>)
      %dma_wait3A = arith.constant 0 : i32
      %dma_wait3A_117 = arith.constant 0 : i32
      %dma_wait3A_118 = tpu.memref_slice %arg14[%dma_wait3A, %dma_wait3A_117] : memref<128x128xf32, #tpu.memory_space<vmem>> -> memref<128x128xf32, #tpu.memory_space<vmem>>
      %dma_wait3A_119 = arith.constant 0 : i32
      %dma_wait3A_120 = tpu.memref_slice %arg18[%add3A_8, %dma_wait3A_119] : memref<10112x128xf32, #tpu.memory_space<vmem_shared>> -> memref<128x128xf32, #tpu.memory_space<vmem_shared>>
      %dma_wait3A_121 = arith.constant 0 : i32
      %dma_wait3A_122 = tpu.memref_slice %arg18[%add3A_8, %dma_wait3A_121] : memref<10112x128xf32, #tpu.memory_space<vmem_shared>> -> memref<128x128xf32, #tpu.memory_space<vmem_shared>>
      %dma_wait3A_123 = arith.constant 0 : i32
      %dma_wait3A_124 = arith.constant 0 : i32
      %dma_wait3A_125 = tpu.memref_slice %arg14[%dma_wait3A_123, %dma_wait3A_124] : memref<128x128xf32, #tpu.memory_space<vmem>> -> memref<128x128xf32, #tpu.memory_space<vmem>>
      tpu.wait_dma2 semaphore(%run_scoped3A : memref<!tpu.dma_semaphore, #tpu.memory_space<semaphore_mem>>) src(%dma_wait3A_125 : memref<128x128xf32, #tpu.memory_space<vmem>>) dst(%dma_wait3A_122 : memref<128x128xf32, #tpu.memory_space<vmem_shared>>)
      tpu.yield
    }) : () -> ()
    %add3A_9 = arith.constant 128 : i32
    %add3A_10 = arith.addi %mul3A_2, %add3A_9 : i32
    "tpu.region"() ({
      %run_scoped3A = tpu.sem_alloc : memref<!tpu.dma_semaphore, #tpu.memory_space<semaphore_mem>>
      %dma_start3A = arith.constant 0 : i32
      %dma_start3A_108 = arith.constant 0 : i32
      %dma_start3A_109 = tpu.memref_slice %arg17[%dma_start3A, %dma_start3A_108] : memref<128x16xf32, #tpu.memory_space<vmem>> -> memref<128x16xf32, #tpu.memory_space<vmem>>
      %dma_start3A_110 = arith.constant 0 : i32
      %dma_start3A_111 = tpu.memref_slice %arg19[%add3A_10, %dma_start3A_110] : memref<10112x16xf32, #tpu.memory_space<vmem_shared>> -> memref<128x16xf32, #tpu.memory_space<vmem_shared>>
      %dma_start3A_112 = arith.constant 0 : i32
      %dma_start3A_113 = tpu.memref_slice %arg19[%add3A_10, %dma_start3A_112] : memref<10112x16xf32, #tpu.memory_space<vmem_shared>> -> memref<128x16xf32, #tpu.memory_space<vmem_shared>>
      %dma_start3A_114 = arith.constant 0 : i32
      %dma_start3A_115 = arith.constant 0 : i32
      %dma_start3A_116 = tpu.memref_slice %arg17[%dma_start3A_114, %dma_start3A_115] : memref<128x16xf32, #tpu.memory_space<vmem>> -> memref<128x16xf32, #tpu.memory_space<vmem>>
      tpu.enqueue_dma source(%dma_start3A_116 : memref<128x16xf32, #tpu.memory_space<vmem>>) target(%dma_start3A_113 : memref<128x16xf32, #tpu.memory_space<vmem_shared>>) target_semaphore(%run_scoped3A : memref<!tpu.dma_semaphore, #tpu.memory_space<semaphore_mem>>)
      %dma_wait3A = arith.constant 0 : i32
      %dma_wait3A_117 = arith.constant 0 : i32
      %dma_wait3A_118 = tpu.memref_slice %arg17[%dma_wait3A, %dma_wait3A_117] : memref<128x16xf32, #tpu.memory_space<vmem>> -> memref<128x16xf32, #tpu.memory_space<vmem>>
      %dma_wait3A_119 = arith.constant 0 : i32
      %dma_wait3A_120 = tpu.memref_slice %arg19[%add3A_10, %dma_wait3A_119] : memref<10112x16xf32, #tpu.memory_space<vmem_shared>> -> memref<128x16xf32, #tpu.memory_space<vmem_shared>>
      %dma_wait3A_121 = arith.constant 0 : i32
      %dma_wait3A_122 = tpu.memref_slice %arg19[%add3A_10, %dma_wait3A_121] : memref<10112x16xf32, #tpu.memory_space<vmem_shared>> -> memref<128x16xf32, #tpu.memory_space<vmem_shared>>
      %dma_wait3A_123 = arith.constant 0 : i32
      %dma_wait3A_124 = arith.constant 0 : i32
      %dma_wait3A_125 = tpu.memref_slice %arg17[%dma_wait3A_123, %dma_wait3A_124] : memref<128x16xf32, #tpu.memory_space<vmem>> -> memref<128x16xf32, #tpu.memory_space<vmem>>
      tpu.wait_dma2 semaphore(%run_scoped3A : memref<!tpu.dma_semaphore, #tpu.memory_space<semaphore_mem>>) src(%dma_wait3A_125 : memref<128x16xf32, #tpu.memory_space<vmem>>) dst(%dma_wait3A_122 : memref<128x16xf32, #tpu.memory_space<vmem_shared>>)
      tpu.yield
    }) : () -> ()
    %add3A_11 = arith.constant 256 : i32
    %add3A_12 = arith.addi %mul3A_2, %add3A_11 : i32
    "tpu.region"() ({
      %run_scoped3A = tpu.sem_alloc : memref<!tpu.dma_semaphore, #tpu.memory_space<semaphore_mem>>
      %dma_start3A = arith.constant 0 : i32
      %dma_start3A_108 = arith.constant 0 : i32
      %dma_start3A_109 = tpu.memref_slice %arg14[%dma_start3A, %dma_start3A_108] : memref<128x128xf32, #tpu.memory_space<vmem>> -> memref<128x128xf32, #tpu.memory_space<vmem>>
      %dma_start3A_110 = arith.constant 0 : i32
      %dma_start3A_111 = tpu.memref_slice %arg18[%add3A_12, %dma_start3A_110] : memref<10112x128xf32, #tpu.memory_space<vmem_shared>> -> memref<128x128xf32, #tpu.memory_space<vmem_shared>>
      %dma_start3A_112 = arith.constant 0 : i32
      %dma_start3A_113 = tpu.memref_slice %arg18[%add3A_12, %dma_start3A_112] : memref<10112x128xf32, #tpu.memory_space<vmem_shared>> -> memref<128x128xf32, #tpu.memory_space<vmem_shared>>
      %dma_start3A_114 = arith.constant 0 : i32
      %dma_start3A_115 = arith.constant 0 : i32
      %dma_start3A_116 = tpu.memref_slice %arg14[%dma_start3A_114, %dma_start3A_115] : memref<128x128xf32, #tpu.memory_space<vmem>> -> memref<128x128xf32, #tpu.memory_space<vmem>>
      tpu.enqueue_dma source(%dma_start3A_116 : memref<128x128xf32, #tpu.memory_space<vmem>>) target(%dma_start3A_113 : memref<128x128xf32, #tpu.memory_space<vmem_shared>>) target_semaphore(%run_scoped3A : memref<!tpu.dma_semaphore, #tpu.memory_space<semaphore_mem>>)
      %dma_wait3A = arith.constant 0 : i32
      %dma_wait3A_117 = arith.constant 0 : i32
      %dma_wait3A_118 = tpu.memref_slice %arg14[%dma_wait3A, %dma_wait3A_117] : memref<128x128xf32, #tpu.memory_space<vmem>> -> memref<128x128xf32, #tpu.memory_space<vmem>>
      %dma_wait3A_119 = arith.constant 0 : i32
      %dma_wait3A_120 = tpu.memref_slice %arg18[%add3A_12, %dma_wait3A_119] : memref<10112x128xf32, #tpu.memory_space<vmem_shared>> -> memref<128x128xf32, #tpu.memory_space<vmem_shared>>
      %dma_wait3A_121 = arith.constant 0 : i32
      %dma_wait3A_122 = tpu.memref_slice %arg18[%add3A_12, %dma_wait3A_121] : memref<10112x128xf32, #tpu.memory_space<vmem_shared>> -> memref<128x128xf32, #tpu.memory_space<vmem_shared>>
      %dma_wait3A_123 = arith.constant 0 : i32
      %dma_wait3A_124 = arith.constant 0 : i32
      %dma_wait3A_125 = tpu.memref_slice %arg14[%dma_wait3A_123, %dma_wait3A_124] : memref<128x128xf32, #tpu.memory_space<vmem>> -> memref<128x128xf32, #tpu.memory_space<vmem>>
      tpu.wait_dma2 semaphore(%run_scoped3A : memref<!tpu.dma_semaphore, #tpu.memory_space<semaphore_mem>>) src(%dma_wait3A_125 : memref<128x128xf32, #tpu.memory_space<vmem>>) dst(%dma_wait3A_122 : memref<128x128xf32, #tpu.memory_space<vmem_shared>>)
      tpu.yield
    }) : () -> ()
    %add3A_13 = arith.constant 256 : i32
    %add3A_14 = arith.addi %mul3A_2, %add3A_13 : i32
    "tpu.region"() ({
      %run_scoped3A = tpu.sem_alloc : memref<!tpu.dma_semaphore, #tpu.memory_space<semaphore_mem>>
      %dma_start3A = arith.constant 0 : i32
      %dma_start3A_108 = arith.constant 0 : i32
      %dma_start3A_109 = tpu.memref_slice %arg17[%dma_start3A, %dma_start3A_108] : memref<128x16xf32, #tpu.memory_space<vmem>> -> memref<128x16xf32, #tpu.memory_space<vmem>>
      %dma_start3A_110 = arith.constant 0 : i32
      %dma_start3A_111 = tpu.memref_slice %arg19[%add3A_14, %dma_start3A_110] : memref<10112x16xf32, #tpu.memory_space<vmem_shared>> -> memref<128x16xf32, #tpu.memory_space<vmem_shared>>
      %dma_start3A_112 = arith.constant 0 : i32
      %dma_start3A_113 = tpu.memref_slice %arg19[%add3A_14, %dma_start3A_112] : memref<10112x16xf32, #tpu.memory_space<vmem_shared>> -> memref<128x16xf32, #tpu.memory_space<vmem_shared>>
      %dma_start3A_114 = arith.constant 0 : i32
      %dma_start3A_115 = arith.constant 0 : i32
      %dma_start3A_116 = tpu.memref_slice %arg17[%dma_start3A_114, %dma_start3A_115] : memref<128x16xf32, #tpu.memory_space<vmem>> -> memref<128x16xf32, #tpu.memory_space<vmem>>
      tpu.enqueue_dma source(%dma_start3A_116 : memref<128x16xf32, #tpu.memory_space<vmem>>) target(%dma_start3A_113 : memref<128x16xf32, #tpu.memory_space<vmem_shared>>) target_semaphore(%run_scoped3A : memref<!tpu.dma_semaphore, #tpu.memory_space<semaphore_mem>>)
      %dma_wait3A = arith.constant 0 : i32
      %dma_wait3A_117 = arith.constant 0 : i32
      %dma_wait3A_118 = tpu.memref_slice %arg17[%dma_wait3A, %dma_wait3A_117] : memref<128x16xf32, #tpu.memory_space<vmem>> -> memref<128x16xf32, #tpu.memory_space<vmem>>
      %dma_wait3A_119 = arith.constant 0 : i32
      %dma_wait3A_120 = tpu.memref_slice %arg19[%add3A_14, %dma_wait3A_119] : memref<10112x16xf32, #tpu.memory_space<vmem_shared>> -> memref<128x16xf32, #tpu.memory_space<vmem_shared>>
      %dma_wait3A_121 = arith.constant 0 : i32
      %dma_wait3A_122 = tpu.memref_slice %arg19[%add3A_14, %dma_wait3A_121] : memref<10112x16xf32, #tpu.memory_space<vmem_shared>> -> memref<128x16xf32, #tpu.memory_space<vmem_shared>>
      %dma_wait3A_123 = arith.constant 0 : i32
      %dma_wait3A_124 = arith.constant 0 : i32
      %dma_wait3A_125 = tpu.memref_slice %arg17[%dma_wait3A_123, %dma_wait3A_124] : memref<128x16xf32, #tpu.memory_space<vmem>> -> memref<128x16xf32, #tpu.memory_space<vmem>>
      tpu.wait_dma2 semaphore(%run_scoped3A : memref<!tpu.dma_semaphore, #tpu.memory_space<semaphore_mem>>) src(%dma_wait3A_125 : memref<128x16xf32, #tpu.memory_space<vmem>>) dst(%dma_wait3A_122 : memref<128x16xf32, #tpu.memory_space<vmem_shared>>)
      tpu.yield
    }) : () -> ()
    %add3A_15 = arith.constant 384 : i32
    %add3A_16 = arith.addi %mul3A_2, %add3A_15 : i32
    "tpu.region"() ({
      %run_scoped3A = tpu.sem_alloc : memref<!tpu.dma_semaphore, #tpu.memory_space<semaphore_mem>>
      %dma_start3A = arith.constant 0 : i32
      %dma_start3A_108 = arith.constant 0 : i32
      %dma_start3A_109 = tpu.memref_slice %arg14[%dma_start3A, %dma_start3A_108] : memref<128x128xf32, #tpu.memory_space<vmem>> -> memref<128x128xf32, #tpu.memory_space<vmem>>
      %dma_start3A_110 = arith.constant 0 : i32
      %dma_start3A_111 = tpu.memref_slice %arg18[%add3A_16, %dma_start3A_110] : memref<10112x128xf32, #tpu.memory_space<vmem_shared>> -> memref<128x128xf32, #tpu.memory_space<vmem_shared>>
      %dma_start3A_112 = arith.constant 0 : i32
      %dma_start3A_113 = tpu.memref_slice %arg18[%add3A_16, %dma_start3A_112] : memref<10112x128xf32, #tpu.memory_space<vmem_shared>> -> memref<128x128xf32, #tpu.memory_space<vmem_shared>>
      %dma_start3A_114 = arith.constant 0 : i32
      %dma_start3A_115 = arith.constant 0 : i32
      %dma_start3A_116 = tpu.memref_slice %arg14[%dma_start3A_114, %dma_start3A_115] : memref<128x128xf32, #tpu.memory_space<vmem>> -> memref<128x128xf32, #tpu.memory_space<vmem>>
      tpu.enqueue_dma source(%dma_start3A_116 : memref<128x128xf32, #tpu.memory_space<vmem>>) target(%dma_start3A_113 : memref<128x128xf32, #tpu.memory_space<vmem_shared>>) target_semaphore(%run_scoped3A : memref<!tpu.dma_semaphore, #tpu.memory_space<semaphore_mem>>)
      %dma_wait3A = arith.constant 0 : i32
      %dma_wait3A_117 = arith.constant 0 : i32
      %dma_wait3A_118 = tpu.memref_slice %arg14[%dma_wait3A, %dma_wait3A_117] : memref<128x128xf32, #tpu.memory_space<vmem>> -> memref<128x128xf32, #tpu.memory_space<vmem>>
      %dma_wait3A_119 = arith.constant 0 : i32
      %dma_wait3A_120 = tpu.memref_slice %arg18[%add3A_16, %dma_wait3A_119] : memref<10112x128xf32, #tpu.memory_space<vmem_shared>> -> memref<128x128xf32, #tpu.memory_space<vmem_shared>>
      %dma_wait3A_121 = arith.constant 0 : i32
      %dma_wait3A_122 = tpu.memref_slice %arg18[%add3A_16, %dma_wait3A_121] : memref<10112x128xf32, #tpu.memory_space<vmem_shared>> -> memref<128x128xf32, #tpu.memory_space<vmem_shared>>
      %dma_wait3A_123 = arith.constant 0 : i32
      %dma_wait3A_124 = arith.constant 0 : i32
      %dma_wait3A_125 = tpu.memref_slice %arg14[%dma_wait3A_123, %dma_wait3A_124] : memref<128x128xf32, #tpu.memory_space<vmem>> -> memref<128x128xf32, #tpu.memory_space<vmem>>
      tpu.wait_dma2 semaphore(%run_scoped3A : memref<!tpu.dma_semaphore, #tpu.memory_space<semaphore_mem>>) src(%dma_wait3A_125 : memref<128x128xf32, #tpu.memory_space<vmem>>) dst(%dma_wait3A_122 : memref<128x128xf32, #tpu.memory_space<vmem_shared>>)
      tpu.yield
    }) : () -> ()
    %add3A_17 = arith.constant 384 : i32
    %add3A_18 = arith.addi %mul3A_2, %add3A_17 : i32
    "tpu.region"() ({
      %run_scoped3A = tpu.sem_alloc : memref<!tpu.dma_semaphore, #tpu.memory_space<semaphore_mem>>
      %dma_start3A = arith.constant 0 : i32
      %dma_start3A_108 = arith.constant 0 : i32
      %dma_start3A_109 = tpu.memref_slice %arg17[%dma_start3A, %dma_start3A_108] : memref<128x16xf32, #tpu.memory_space<vmem>> -> memref<128x16xf32, #tpu.memory_space<vmem>>
      %dma_start3A_110 = arith.constant 0 : i32
      %dma_start3A_111 = tpu.memref_slice %arg19[%add3A_18, %dma_start3A_110] : memref<10112x16xf32, #tpu.memory_space<vmem_shared>> -> memref<128x16xf32, #tpu.memory_space<vmem_shared>>
      %dma_start3A_112 = arith.constant 0 : i32
      %dma_start3A_113 = tpu.memref_slice %arg19[%add3A_18, %dma_start3A_112] : memref<10112x16xf32, #tpu.memory_space<vmem_shared>> -> memref<128x16xf32, #tpu.memory_space<vmem_shared>>
      %dma_start3A_114 = arith.constant 0 : i32
      %dma_start3A_115 = arith.constant 0 : i32
      %dma_start3A_116 = tpu.memref_slice %arg17[%dma_start3A_114, %dma_start3A_115] : memref<128x16xf32, #tpu.memory_space<vmem>> -> memref<128x16xf32, #tpu.memory_space<vmem>>
      tpu.enqueue_dma source(%dma_start3A_116 : memref<128x16xf32, #tpu.memory_space<vmem>>) target(%dma_start3A_113 : memref<128x16xf32, #tpu.memory_space<vmem_shared>>) target_semaphore(%run_scoped3A : memref<!tpu.dma_semaphore, #tpu.memory_space<semaphore_mem>>)
      %dma_wait3A = arith.constant 0 : i32
      %dma_wait3A_117 = arith.constant 0 : i32
      %dma_wait3A_118 = tpu.memref_slice %arg17[%dma_wait3A, %dma_wait3A_117] : memref<128x16xf32, #tpu.memory_space<vmem>> -> memref<128x16xf32, #tpu.memory_space<vmem>>
      %dma_wait3A_119 = arith.constant 0 : i32
      %dma_wait3A_120 = tpu.memref_slice %arg19[%add3A_18, %dma_wait3A_119] : memref<10112x16xf32, #tpu.memory_space<vmem_shared>> -> memref<128x16xf32, #tpu.memory_space<vmem_shared>>
      %dma_wait3A_121 = arith.constant 0 : i32
      %dma_wait3A_122 = tpu.memref_slice %arg19[%add3A_18, %dma_wait3A_121] : memref<10112x16xf32, #tpu.memory_space<vmem_shared>> -> memref<128x16xf32, #tpu.memory_space<vmem_shared>>
      %dma_wait3A_123 = arith.constant 0 : i32
      %dma_wait3A_124 = arith.constant 0 : i32
      %dma_wait3A_125 = tpu.memref_slice %arg17[%dma_wait3A_123, %dma_wait3A_124] : memref<128x16xf32, #tpu.memory_space<vmem>> -> memref<128x16xf32, #tpu.memory_space<vmem>>
      tpu.wait_dma2 semaphore(%run_scoped3A : memref<!tpu.dma_semaphore, #tpu.memory_space<semaphore_mem>>) src(%dma_wait3A_125 : memref<128x16xf32, #tpu.memory_space<vmem>>) dst(%dma_wait3A_122 : memref<128x16xf32, #tpu.memory_space<vmem_shared>>)
      tpu.yield
    }) : () -> ()
    %add3A_19 = arith.constant 512 : i32
    %add3A_20 = arith.addi %mul3A_2, %add3A_19 : i32
    "tpu.region"() ({
      %run_scoped3A = tpu.sem_alloc : memref<!tpu.dma_semaphore, #tpu.memory_space<semaphore_mem>>
      %dma_start3A = arith.constant 0 : i32
      %dma_start3A_108 = arith.constant 0 : i32
      %dma_start3A_109 = tpu.memref_slice %arg14[%dma_start3A, %dma_start3A_108] : memref<128x128xf32, #tpu.memory_space<vmem>> -> memref<120x128xf32, #tpu.memory_space<vmem>>
      %dma_start3A_110 = arith.constant 0 : i32
      %dma_start3A_111 = tpu.memref_slice %arg18[%add3A_20, %dma_start3A_110] : memref<10112x128xf32, #tpu.memory_space<vmem_shared>> -> memref<120x128xf32, #tpu.memory_space<vmem_shared>>
      %dma_start3A_112 = arith.constant 0 : i32
      %dma_start3A_113 = tpu.memref_slice %arg18[%add3A_20, %dma_start3A_112] : memref<10112x128xf32, #tpu.memory_space<vmem_shared>> -> memref<120x128xf32, #tpu.memory_space<vmem_shared>>
      %dma_start3A_114 = arith.constant 0 : i32
      %dma_start3A_115 = arith.constant 0 : i32
      %dma_start3A_116 = tpu.memref_slice %arg14[%dma_start3A_114, %dma_start3A_115] : memref<128x128xf32, #tpu.memory_space<vmem>> -> memref<120x128xf32, #tpu.memory_space<vmem>>
      tpu.enqueue_dma source(%dma_start3A_116 : memref<120x128xf32, #tpu.memory_space<vmem>>) target(%dma_start3A_113 : memref<120x128xf32, #tpu.memory_space<vmem_shared>>) target_semaphore(%run_scoped3A : memref<!tpu.dma_semaphore, #tpu.memory_space<semaphore_mem>>)
      %dma_wait3A = arith.constant 0 : i32
      %dma_wait3A_117 = arith.constant 0 : i32
      %dma_wait3A_118 = tpu.memref_slice %arg14[%dma_wait3A, %dma_wait3A_117] : memref<128x128xf32, #tpu.memory_space<vmem>> -> memref<120x128xf32, #tpu.memory_space<vmem>>
      %dma_wait3A_119 = arith.constant 0 : i32
      %dma_wait3A_120 = tpu.memref_slice %arg18[%add3A_20, %dma_wait3A_119] : memref<10112x128xf32, #tpu.memory_space<vmem_shared>> -> memref<120x128xf32, #tpu.memory_space<vmem_shared>>
      %dma_wait3A_121 = arith.constant 0 : i32
      %dma_wait3A_122 = tpu.memref_slice %arg18[%add3A_20, %dma_wait3A_121] : memref<10112x128xf32, #tpu.memory_space<vmem_shared>> -> memref<120x128xf32, #tpu.memory_space<vmem_shared>>
      %dma_wait3A_123 = arith.constant 0 : i32
      %dma_wait3A_124 = arith.constant 0 : i32
      %dma_wait3A_125 = tpu.memref_slice %arg14[%dma_wait3A_123, %dma_wait3A_124] : memref<128x128xf32, #tpu.memory_space<vmem>> -> memref<120x128xf32, #tpu.memory_space<vmem>>
      tpu.wait_dma2 semaphore(%run_scoped3A : memref<!tpu.dma_semaphore, #tpu.memory_space<semaphore_mem>>) src(%dma_wait3A_125 : memref<120x128xf32, #tpu.memory_space<vmem>>) dst(%dma_wait3A_122 : memref<120x128xf32, #tpu.memory_space<vmem_shared>>)
      tpu.yield
    }) : () -> ()
    %add3A_21 = arith.constant 512 : i32
    %add3A_22 = arith.addi %mul3A_2, %add3A_21 : i32
    "tpu.region"() ({
      %run_scoped3A = tpu.sem_alloc : memref<!tpu.dma_semaphore, #tpu.memory_space<semaphore_mem>>
      %dma_start3A = arith.constant 0 : i32
      %dma_start3A_108 = arith.constant 0 : i32
      %dma_start3A_109 = tpu.memref_slice %arg17[%dma_start3A, %dma_start3A_108] : memref<128x16xf32, #tpu.memory_space<vmem>> -> memref<120x16xf32, #tpu.memory_space<vmem>>
      %dma_start3A_110 = arith.constant 0 : i32
      %dma_start3A_111 = tpu.memref_slice %arg19[%add3A_22, %dma_start3A_110] : memref<10112x16xf32, #tpu.memory_space<vmem_shared>> -> memref<120x16xf32, #tpu.memory_space<vmem_shared>>
      %dma_start3A_112 = arith.constant 0 : i32
      %dma_start3A_113 = tpu.memref_slice %arg19[%add3A_22, %dma_start3A_112] : memref<10112x16xf32, #tpu.memory_space<vmem_shared>> -> memref<120x16xf32, #tpu.memory_space<vmem_shared>>
      %dma_start3A_114 = arith.constant 0 : i32
      %dma_start3A_115 = arith.constant 0 : i32
      %dma_start3A_116 = tpu.memref_slice %arg17[%dma_start3A_114, %dma_start3A_115] : memref<128x16xf32, #tpu.memory_space<vmem>> -> memref<120x16xf32, #tpu.memory_space<vmem>>
      tpu.enqueue_dma source(%dma_start3A_116 : memref<120x16xf32, #tpu.memory_space<vmem>>) target(%dma_start3A_113 : memref<120x16xf32, #tpu.memory_space<vmem_shared>>) target_semaphore(%run_scoped3A : memref<!tpu.dma_semaphore, #tpu.memory_space<semaphore_mem>>)
      %dma_wait3A = arith.constant 0 : i32
      %dma_wait3A_117 = arith.constant 0 : i32
      %dma_wait3A_118 = tpu.memref_slice %arg17[%dma_wait3A, %dma_wait3A_117] : memref<128x16xf32, #tpu.memory_space<vmem>> -> memref<120x16xf32, #tpu.memory_space<vmem>>
      %dma_wait3A_119 = arith.constant 0 : i32
      %dma_wait3A_120 = tpu.memref_slice %arg19[%add3A_22, %dma_wait3A_119] : memref<10112x16xf32, #tpu.memory_space<vmem_shared>> -> memref<120x16xf32, #tpu.memory_space<vmem_shared>>
      %dma_wait3A_121 = arith.constant 0 : i32
      %dma_wait3A_122 = tpu.memref_slice %arg19[%add3A_22, %dma_wait3A_121] : memref<10112x16xf32, #tpu.memory_space<vmem_shared>> -> memref<120x16xf32, #tpu.memory_space<vmem_shared>>
      %dma_wait3A_123 = arith.constant 0 : i32
      %dma_wait3A_124 = arith.constant 0 : i32
      %dma_wait3A_125 = tpu.memref_slice %arg17[%dma_wait3A_123, %dma_wait3A_124] : memref<128x16xf32, #tpu.memory_space<vmem>> -> memref<120x16xf32, #tpu.memory_space<vmem>>
      tpu.wait_dma2 semaphore(%run_scoped3A : memref<!tpu.dma_semaphore, #tpu.memory_space<semaphore_mem>>) src(%dma_wait3A_125 : memref<120x16xf32, #tpu.memory_space<vmem>>) dst(%dma_wait3A_122 : memref<120x16xf32, #tpu.memory_space<vmem_shared>>)
      tpu.yield
    }) : () -> ()
    %barrier3A = arith.constant 0 : index
    tpu.barrier barrier_id(%barrier3A)
    %sub3A = arith.constant 2500 : i32
    %sub3A_23 = arith.subi %sub3A, %add3A : i32
    %add3A_24 = arith.constant 32 : i32
    %add3A_25 = arith.addi %sub3A_23, %add3A_24 : i32
    %sub3A_26 = arith.constant 1 : i32
    %sub3A_27 = arith.subi %add3A_25, %sub3A_26 : i32
    %jit3A = arith.constant 32 : i32
    %div3A = arith.divsi %sub3A_27, %jit3A : i32
    %sign3A = arith.constant 0 : i32
    %sign3A_28 = arith.cmpi sgt, %sub3A_27, %sign3A : i32
    %sign3A_29 = arith.extui %sign3A_28 : i1 to i32
    %sign3A_30 = arith.constant 0 : i32
    %sign3A_31 = arith.cmpi slt, %sub3A_27, %sign3A_30 : i32
    %sign3A_32 = arith.extui %sign3A_31 : i1 to i32
    %sign3A_33 = arith.subi %sign3A_29, %sign3A_32 : i32
    %sign3A_34 = arith.constant 0 : i32
    %sign3A_35 = arith.cmpi sgt, %jit3A, %sign3A_34 : i32
    %sign3A_36 = arith.extui %sign3A_35 : i1 to i32
    %sign3A_37 = arith.constant 0 : i32
    %sign3A_38 = arith.cmpi slt, %jit3A, %sign3A_37 : i32
    %sign3A_39 = arith.extui %sign3A_38 : i1 to i32
    %sign3A_40 = arith.subi %sign3A_36, %sign3A_39 : i32
    %ne3A = arith.cmpi ne, %sign3A_33, %sign3A_40 : i32
    %rem3A = arith.remsi %sub3A_27, %jit3A : i32
    %ne3A_41 = arith.constant 0 : i32
    %ne3A_42 = arith.cmpi ne, %rem3A, %ne3A_41 : i32
    %and3A = arith.andi %ne3A, %ne3A_42 : i1
    %sub3A_43 = arith.constant 1 : i32
    %sub3A_44 = arith.subi %div3A, %sub3A_43 : i32
    %select_n3A = arith.select %and3A, %sub3A_44, %div3A : i32
    %gt3A = arith.constant 0 : i32
    %gt3A_45 = arith.cmpi sgt, %select_n3A, %gt3A : i32
    %convert_element_type3A = arith.extui %gt3A_45 : i1 to i32
    %cond3A = arith.constant 0 : i32
    %cond3A_46 = arith.cmpi ne, %convert_element_type3A, %cond3A : i32
    scf.if %cond3A_46 {
      %mul3A_108 = arith.constant 128 : i32
      %mul3A_109 = arith.muli %add3A, %mul3A_108 : i32
      "tpu.region"() ({
        %run_scoped3A = tpu.sem_alloc : memref<!tpu.dma_semaphore, #tpu.memory_space<semaphore_mem>>
        %dma_start3A_119 = tpu.memref_slice %arg6[%mul3A_109] : memref<320000xi32, #tpu.memory_space<hbm>> -> memref<128xi32, #tpu.memory_space<hbm>>
        %dma_start3A_120 = tpu.memref_slice %arg6[%mul3A_109] : memref<320000xi32, #tpu.memory_space<hbm>> -> memref<128xi32, #tpu.memory_space<hbm>>
        tpu.enqueue_dma source(%dma_start3A_120 : memref<128xi32, #tpu.memory_space<hbm>>) target(%arg10 : memref<128xi32, #tpu.memory_space<vmem>>) target_semaphore(%run_scoped3A : memref<!tpu.dma_semaphore, #tpu.memory_space<semaphore_mem>>)
        %dma_wait3A = tpu.memref_slice %arg6[%mul3A_109] : memref<320000xi32, #tpu.memory_space<hbm>> -> memref<128xi32, #tpu.memory_space<hbm>>
        %dma_wait3A_121 = tpu.memref_slice %arg6[%mul3A_109] : memref<320000xi32, #tpu.memory_space<hbm>> -> memref<128xi32, #tpu.memory_space<hbm>>
        tpu.wait_dma2 semaphore(%run_scoped3A : memref<!tpu.dma_semaphore, #tpu.memory_space<semaphore_mem>>) src(%dma_wait3A_121 : memref<128xi32, #tpu.memory_space<hbm>>) dst(%arg10 : memref<128xi32, #tpu.memory_space<vmem>>)
        tpu.yield
      }) : () -> ()
      %mul3A_110 = arith.constant 128 : i32
      %mul3A_111 = arith.muli %add3A, %mul3A_110 : i32
      "tpu.region"() ({
        %run_scoped3A = tpu.sem_alloc : memref<!tpu.dma_semaphore, #tpu.memory_space<semaphore_mem>>
        %dma_start3A_119 = tpu.memref_slice %arg7[%mul3A_111] : memref<320000xi32, #tpu.memory_space<hbm>> -> memref<128xi32, #tpu.memory_space<hbm>>
        %dma_start3A_120 = tpu.memref_slice %arg7[%mul3A_111] : memref<320000xi32, #tpu.memory_space<hbm>> -> memref<128xi32, #tpu.memory_space<hbm>>
        tpu.enqueue_dma source(%dma_start3A_120 : memref<128xi32, #tpu.memory_space<hbm>>) target(%arg12 : memref<128xi32, #tpu.memory_space<vmem>>) target_semaphore(%run_scoped3A : memref<!tpu.dma_semaphore, #tpu.memory_space<semaphore_mem>>)
        %dma_wait3A = tpu.memref_slice %arg7[%mul3A_111] : memref<320000xi32, #tpu.memory_space<hbm>> -> memref<128xi32, #tpu.memory_space<hbm>>
        %dma_wait3A_121 = tpu.memref_slice %arg7[%mul3A_111] : memref<320000xi32, #tpu.memory_space<hbm>> -> memref<128xi32, #tpu.memory_space<hbm>>
        tpu.wait_dma2 semaphore(%run_scoped3A : memref<!tpu.dma_semaphore, #tpu.memory_space<semaphore_mem>>) src(%dma_wait3A_121 : memref<128xi32, #tpu.memory_space<hbm>>) dst(%arg12 : memref<128xi32, #tpu.memory_space<vmem>>)
        tpu.yield
      }) : () -> ()
      %dma_start3A = arith.constant 0 : i32
      %dma_start3A_112 = arith.constant 0 : i32
      %dma_start3A_113 = tpu.memref_slice %arg2[%dma_start3A, %dma_start3A_112] : memref<10000x128xf32, #tpu.memory_space<hbm>> -> memref<10000x128xf32, #tpu.memory_space<hbm>>
      tpu.enqueue_indirect_dma source(%dma_start3A_113 : memref<10000x128xf32, #tpu.memory_space<hbm>>) target(%arg14 : memref<128x128xf32, #tpu.memory_space<vmem>>) offsets(%arg10 : memref<128xi32, #tpu.memory_space<vmem>>) semaphore(%arg20 : memref<!tpu.dma_semaphore, #tpu.memory_space<semaphore_mem>>)
      %gt3A_114 = arith.constant 1 : i32
      %gt3A_115 = arith.cmpi sgt, %select_n3A, %gt3A_114 : i32
      %convert_element_type3A_116 = arith.extui %gt3A_115 : i1 to i32
      %cond3A_117 = arith.constant 0 : i32
      %cond3A_118 = arith.cmpi ne, %convert_element_type3A_116, %cond3A_117 : i32
      scf.if %cond3A_118 {
        %add3A_119 = arith.constant 32 : i32
        %add3A_120 = arith.addi %add3A, %add3A_119 : i32
        %mul3A_121 = arith.constant 128 : i32
        %mul3A_122 = arith.muli %add3A_120, %mul3A_121 : i32
        %dma_start3A_123 = tpu.memref_slice %arg6[%mul3A_122] : memref<320000xi32, #tpu.memory_space<hbm>> -> memref<128xi32, #tpu.memory_space<hbm>>
        %dma_start3A_124 = tpu.memref_slice %arg6[%mul3A_122] : memref<320000xi32, #tpu.memory_space<hbm>> -> memref<128xi32, #tpu.memory_space<hbm>>
        tpu.enqueue_dma source(%dma_start3A_124 : memref<128xi32, #tpu.memory_space<hbm>>) target(%arg11 : memref<128xi32, #tpu.memory_space<vmem>>) target_semaphore(%arg23 : memref<!tpu.dma_semaphore, #tpu.memory_space<semaphore_mem>>)
        %mul3A_125 = arith.constant 128 : i32
        %mul3A_126 = arith.muli %add3A_120, %mul3A_125 : i32
        %dma_start3A_127 = tpu.memref_slice %arg7[%mul3A_126] : memref<320000xi32, #tpu.memory_space<hbm>> -> memref<128xi32, #tpu.memory_space<hbm>>
        %dma_start3A_128 = tpu.memref_slice %arg7[%mul3A_126] : memref<320000xi32, #tpu.memory_space<hbm>> -> memref<128xi32, #tpu.memory_space<hbm>>
        tpu.enqueue_dma source(%dma_start3A_128 : memref<128xi32, #tpu.memory_space<hbm>>) target(%arg13 : memref<128xi32, #tpu.memory_space<vmem>>) target_semaphore(%arg23 : memref<!tpu.dma_semaphore, #tpu.memory_space<semaphore_mem>>)
      } else {
      }
    } else {
    }
    %jit3A_47 = arith.constant 2 : i32
    %div3A_48 = arith.divsi %select_n3A, %jit3A_47 : i32
    %sign3A_49 = arith.constant 0 : i32
    %sign3A_50 = arith.cmpi sgt, %select_n3A, %sign3A_49 : i32
    %sign3A_51 = arith.extui %sign3A_50 : i1 to i32
    %sign3A_52 = arith.constant 0 : i32
    %sign3A_53 = arith.cmpi slt, %select_n3A, %sign3A_52 : i32
    %sign3A_54 = arith.extui %sign3A_53 : i1 to i32
    %sign3A_55 = arith.subi %sign3A_51, %sign3A_54 : i32
    %sign3A_56 = arith.constant 0 : i32
    %sign3A_57 = arith.cmpi sgt, %jit3A_47, %sign3A_56 : i32
    %sign3A_58 = arith.extui %sign3A_57 : i1 to i32
    %sign3A_59 = arith.constant 0 : i32
    %sign3A_60 = arith.cmpi slt, %jit3A_47, %sign3A_59 : i32
    %sign3A_61 = arith.extui %sign3A_60 : i1 to i32
    %sign3A_62 = arith.subi %sign3A_58, %sign3A_61 : i32
    %ne3A_63 = arith.cmpi ne, %sign3A_55, %sign3A_62 : i32
    %rem3A_64 = arith.remsi %select_n3A, %jit3A_47 : i32
    %ne3A_65 = arith.constant 0 : i32
    %ne3A_66 = arith.cmpi ne, %rem3A_64, %ne3A_65 : i32
    %and3A_67 = arith.andi %ne3A_63, %ne3A_66 : i1
    %sub3A_68 = arith.constant 1 : i32
    %sub3A_69 = arith.subi %div3A_48, %sub3A_68 : i32
    %select_n3A_70 = arith.select %and3A_67, %sub3A_69, %div3A_48 : i32
    %while3A = arith.constant 0 : i32
    %while3A_71 = arith.constant 0 : i32
    %while3A_72 = arith.subi %select_n3A_70, %while3A : i32
    %while3A_73 = arith.addi %while3A, %while3A_72 : i32
    %while3A_74 = arith.constant 1 : i32
    %while3A_75 = arith.divsi %while3A_72, %while3A_74 : i32
    %while3A_76 = arith.muli %while3A_75, %while3A_74 : i32
    %while3A_77 = arith.addi %while3A, %while3A_76 : i32
    %while3A_78 = arith.constant 1 : i32
    %while3A_79 = scf.for %while3A_108 = %while3A to %while3A_77 step %while3A_78 iter_args(%while3A_109 = %while3A_71) -> (i32)  : i32 {
      %mul3A_110 = arith.constant 2 : i32
      %mul3A_111 = arith.muli %mul3A_110, %while3A_108 : i32
      %add3A_112 = arith.constant 0 : i32
      %add3A_113 = arith.addi %mul3A_111, %add3A_112 : i32
      %dma_wait3A = arith.constant 0 : i32
      %dma_wait3A_114 = arith.constant 0 : i32
      %dma_wait3A_115 = tpu.memref_slice %arg2[%dma_wait3A, %dma_wait3A_114] : memref<10000x128xf32, #tpu.memory_space<hbm>> -> memref<10000x128xf32, #tpu.memory_space<hbm>>
      tpu.wait_indirect_dma semaphore(%arg20 : memref<!tpu.dma_semaphore, #tpu.memory_space<semaphore_mem>>) src(%dma_wait3A_115 : memref<10000x128xf32, #tpu.memory_space<hbm>>) dst(%arg14 : memref<128x128xf32, #tpu.memory_space<vmem>>)
      %add3A_116 = arith.constant 1 : i32
      %add3A_117 = arith.addi %add3A_113, %add3A_116 : i32
      %lt3A_118 = arith.cmpi slt, %add3A_117, %select_n3A : i32
      %convert_element_type3A_119 = arith.extui %lt3A_118 : i1 to i32
      %cond3A_120 = arith.constant 0 : i32
      %cond3A_121 = arith.cmpi ne, %convert_element_type3A_119, %cond3A_120 : i32
      scf.if %cond3A_121 {
        %dma_wait3A_148 = arith.constant 0 : i32
        %dma_wait3A_149 = tpu.memref_slice %arg6[%dma_wait3A_148] : memref<320000xi32, #tpu.memory_space<hbm>> -> memref<128xi32, #tpu.memory_space<hbm>>
        %dma_wait3A_150 = arith.constant 0 : i32
        %dma_wait3A_151 = tpu.memref_slice %arg6[%dma_wait3A_150] : memref<320000xi32, #tpu.memory_space<hbm>> -> memref<128xi32, #tpu.memory_space<hbm>>
        tpu.wait_dma2 semaphore(%arg23 : memref<!tpu.dma_semaphore, #tpu.memory_space<semaphore_mem>>) src(%dma_wait3A_151 : memref<128xi32, #tpu.memory_space<hbm>>) dst(%arg11 : memref<128xi32, #tpu.memory_space<vmem>>)
        %dma_wait3A_152 = arith.constant 0 : i32
        %dma_wait3A_153 = tpu.memref_slice %arg7[%dma_wait3A_152] : memref<320000xi32, #tpu.memory_space<hbm>> -> memref<128xi32, #tpu.memory_space<hbm>>
        %dma_wait3A_154 = arith.constant 0 : i32
        %dma_wait3A_155 = tpu.memref_slice %arg7[%dma_wait3A_154] : memref<320000xi32, #tpu.memory_space<hbm>> -> memref<128xi32, #tpu.memory_space<hbm>>
        tpu.wait_dma2 semaphore(%arg23 : memref<!tpu.dma_semaphore, #tpu.memory_space<semaphore_mem>>) src(%dma_wait3A_155 : memref<128xi32, #tpu.memory_space<hbm>>) dst(%arg13 : memref<128xi32, #tpu.memory_space<vmem>>)
        %dma_start3A = arith.constant 0 : i32
        %dma_start3A_156 = arith.constant 0 : i32
        %dma_start3A_157 = tpu.memref_slice %arg2[%dma_start3A, %dma_start3A_156] : memref<10000x128xf32, #tpu.memory_space<hbm>> -> memref<10000x128xf32, #tpu.memory_space<hbm>>
        tpu.enqueue_indirect_dma source(%dma_start3A_157 : memref<10000x128xf32, #tpu.memory_space<hbm>>) target(%arg15 : memref<128x128xf32, #tpu.memory_space<vmem>>) offsets(%arg11 : memref<128xi32, #tpu.memory_space<vmem>>) semaphore(%arg21 : memref<!tpu.dma_semaphore, #tpu.memory_space<semaphore_mem>>)
      } else {
      }
      "tpu.region"() ({
        %run_scoped3A = tpu.sem_alloc : memref<!tpu.dma_semaphore, #tpu.memory_space<semaphore_mem>>
        %dma_start3A = arith.constant 0 : i32
        %dma_start3A_148 = arith.constant 0 : i32
        %dma_start3A_149 = tpu.memref_slice %arg18[%dma_start3A, %dma_start3A_148] : memref<10112x128xf32, #tpu.memory_space<vmem_shared>> -> memref<10112x128xf32, #tpu.memory_space<vmem_shared>>
        tpu.enqueue_indirect_dma source(%arg14 : memref<128x128xf32, #tpu.memory_space<vmem>>) target(%dma_start3A_149 : memref<10112x128xf32, #tpu.memory_space<vmem_shared>>) offsets(%arg12 : memref<128xi32, #tpu.memory_space<vmem>>) semaphore(%run_scoped3A : memref<!tpu.dma_semaphore, #tpu.memory_space<semaphore_mem>>) {add = true}
        %dma_wait3A_150 = arith.constant 0 : i32
        %dma_wait3A_151 = arith.constant 0 : i32
        %dma_wait3A_152 = tpu.memref_slice %arg18[%dma_wait3A_150, %dma_wait3A_151] : memref<10112x128xf32, #tpu.memory_space<vmem_shared>> -> memref<10112x128xf32, #tpu.memory_space<vmem_shared>>
        tpu.wait_indirect_dma semaphore(%run_scoped3A : memref<!tpu.dma_semaphore, #tpu.memory_space<semaphore_mem>>) src(%arg14 : memref<128x128xf32, #tpu.memory_space<vmem>>) dst(%dma_wait3A_152 : memref<10112x128xf32, #tpu.memory_space<vmem_shared>>)
        tpu.yield
      }) : () -> ()
      "tpu.region"() ({
        %run_scoped3A = tpu.sem_alloc : memref<!tpu.dma_semaphore, #tpu.memory_space<semaphore_mem>>
        %dma_start3A = arith.constant 0 : i32
        %dma_start3A_148 = arith.constant 0 : i32
        %dma_start3A_149 = tpu.memref_slice %arg19[%dma_start3A, %dma_start3A_148] : memref<10112x16xf32, #tpu.memory_space<vmem_shared>> -> memref<10112x16xf32, #tpu.memory_space<vmem_shared>>
        tpu.enqueue_indirect_dma source(%arg16 : memref<128x16xf32, #tpu.memory_space<vmem>>) target(%dma_start3A_149 : memref<10112x16xf32, #tpu.memory_space<vmem_shared>>) offsets(%arg12 : memref<128xi32, #tpu.memory_space<vmem>>) semaphore(%run_scoped3A : memref<!tpu.dma_semaphore, #tpu.memory_space<semaphore_mem>>) {add = true}
        %dma_wait3A_150 = arith.constant 0 : i32
        %dma_wait3A_151 = arith.constant 0 : i32
        %dma_wait3A_152 = tpu.memref_slice %arg19[%dma_wait3A_150, %dma_wait3A_151] : memref<10112x16xf32, #tpu.memory_space<vmem_shared>> -> memref<10112x16xf32, #tpu.memory_space<vmem_shared>>
        tpu.wait_indirect_dma semaphore(%run_scoped3A : memref<!tpu.dma_semaphore, #tpu.memory_space<semaphore_mem>>) src(%arg16 : memref<128x16xf32, #tpu.memory_space<vmem>>) dst(%dma_wait3A_152 : memref<10112x16xf32, #tpu.memory_space<vmem_shared>>)
        tpu.yield
      }) : () -> ()
      %add3A_122 = arith.constant 2 : i32
      %add3A_123 = arith.addi %add3A_113, %add3A_122 : i32
      %lt3A_124 = arith.cmpi slt, %add3A_123, %select_n3A : i32
      %convert_element_type3A_125 = arith.extui %lt3A_124 : i1 to i32
      %cond3A_126 = arith.constant 0 : i32
      %cond3A_127 = arith.cmpi ne, %convert_element_type3A_125, %cond3A_126 : i32
      scf.if %cond3A_127 {
        %add3A_148 = arith.constant 2 : i32
        %add3A_149 = arith.addi %add3A_113, %add3A_148 : i32
        %mul3A_150 = arith.constant 32 : i32
        %mul3A_151 = arith.muli %add3A_149, %mul3A_150 : i32
        %add3A_152 = arith.addi %add3A, %mul3A_151 : i32
        %mul3A_153 = arith.constant 128 : i32
        %mul3A_154 = arith.muli %add3A_152, %mul3A_153 : i32
        %dma_start3A = tpu.memref_slice %arg6[%mul3A_154] : memref<320000xi32, #tpu.memory_space<hbm>> -> memref<128xi32, #tpu.memory_space<hbm>>
        %dma_start3A_155 = tpu.memref_slice %arg6[%mul3A_154] : memref<320000xi32, #tpu.memory_space<hbm>> -> memref<128xi32, #tpu.memory_space<hbm>>
        tpu.enqueue_dma source(%dma_start3A_155 : memref<128xi32, #tpu.memory_space<hbm>>) target(%arg10 : memref<128xi32, #tpu.memory_space<vmem>>) target_semaphore(%arg22 : memref<!tpu.dma_semaphore, #tpu.memory_space<semaphore_mem>>)
        %mul3A_156 = arith.constant 128 : i32
        %mul3A_157 = arith.muli %add3A_152, %mul3A_156 : i32
        %dma_start3A_158 = tpu.memref_slice %arg7[%mul3A_157] : memref<320000xi32, #tpu.memory_space<hbm>> -> memref<128xi32, #tpu.memory_space<hbm>>
        %dma_start3A_159 = tpu.memref_slice %arg7[%mul3A_157] : memref<320000xi32, #tpu.memory_space<hbm>> -> memref<128xi32, #tpu.memory_space<hbm>>
        tpu.enqueue_dma source(%dma_start3A_159 : memref<128xi32, #tpu.memory_space<hbm>>) target(%arg12 : memref<128xi32, #tpu.memory_space<vmem>>) target_semaphore(%arg22 : memref<!tpu.dma_semaphore, #tpu.memory_space<semaphore_mem>>)
      } else {
      }
      %mul3A_128 = arith.constant 2 : i32
      %mul3A_129 = arith.muli %mul3A_128, %while3A_108 : i32
      %add3A_130 = arith.constant 1 : i32
      %add3A_131 = arith.addi %mul3A_129, %add3A_130 : i32
      %dma_wait3A_132 = arith.constant 0 : i32
      %dma_wait3A_133 = arith.constant 0 : i32
      %dma_wait3A_134 = tpu.memref_slice %arg2[%dma_wait3A_132, %dma_wait3A_133] : memref<10000x128xf32, #tpu.memory_space<hbm>> -> memref<10000x128xf32, #tpu.memory_space<hbm>>
      tpu.wait_indirect_dma semaphore(%arg21 : memref<!tpu.dma_semaphore, #tpu.memory_space<semaphore_mem>>) src(%dma_wait3A_134 : memref<10000x128xf32, #tpu.memory_space<hbm>>) dst(%arg15 : memref<128x128xf32, #tpu.memory_space<vmem>>)
      %add3A_135 = arith.constant 1 : i32
      %add3A_136 = arith.addi %add3A_131, %add3A_135 : i32
      %lt3A_137 = arith.cmpi slt, %add3A_136, %select_n3A : i32
      %convert_element_type3A_138 = arith.extui %lt3A_137 : i1 to i32
      %cond3A_139 = arith.constant 0 : i32
      %cond3A_140 = arith.cmpi ne, %convert_element_type3A_138, %cond3A_139 : i32
      scf.if %cond3A_140 {
        %dma_wait3A_148 = arith.constant 0 : i32
        %dma_wait3A_149 = tpu.memref_slice %arg6[%dma_wait3A_148] : memref<320000xi32, #tpu.memory_space<hbm>> -> memref<128xi32, #tpu.memory_space<hbm>>
        %dma_wait3A_150 = arith.constant 0 : i32
        %dma_wait3A_151 = tpu.memref_slice %arg6[%dma_wait3A_150] : memref<320000xi32, #tpu.memory_space<hbm>> -> memref<128xi32, #tpu.memory_space<hbm>>
        tpu.wait_dma2 semaphore(%arg22 : memref<!tpu.dma_semaphore, #tpu.memory_space<semaphore_mem>>) src(%dma_wait3A_151 : memref<128xi32, #tpu.memory_space<hbm>>) dst(%arg10 : memref<128xi32, #tpu.memory_space<vmem>>)
        %dma_wait3A_152 = arith.constant 0 : i32
        %dma_wait3A_153 = tpu.memref_slice %arg7[%dma_wait3A_152] : memref<320000xi32, #tpu.memory_space<hbm>> -> memref<128xi32, #tpu.memory_space<hbm>>
        %dma_wait3A_154 = arith.constant 0 : i32
        %dma_wait3A_155 = tpu.memref_slice %arg7[%dma_wait3A_154] : memref<320000xi32, #tpu.memory_space<hbm>> -> memref<128xi32, #tpu.memory_space<hbm>>
        tpu.wait_dma2 semaphore(%arg22 : memref<!tpu.dma_semaphore, #tpu.memory_space<semaphore_mem>>) src(%dma_wait3A_155 : memref<128xi32, #tpu.memory_space<hbm>>) dst(%arg12 : memref<128xi32, #tpu.memory_space<vmem>>)
        %dma_start3A = arith.constant 0 : i32
        %dma_start3A_156 = arith.constant 0 : i32
        %dma_start3A_157 = tpu.memref_slice %arg2[%dma_start3A, %dma_start3A_156] : memref<10000x128xf32, #tpu.memory_space<hbm>> -> memref<10000x128xf32, #tpu.memory_space<hbm>>
        tpu.enqueue_indirect_dma source(%dma_start3A_157 : memref<10000x128xf32, #tpu.memory_space<hbm>>) target(%arg14 : memref<128x128xf32, #tpu.memory_space<vmem>>) offsets(%arg10 : memref<128xi32, #tpu.memory_space<vmem>>) semaphore(%arg20 : memref<!tpu.dma_semaphore, #tpu.memory_space<semaphore_mem>>)
      } else {
      }
      "tpu.region"() ({
        %run_scoped3A = tpu.sem_alloc : memref<!tpu.dma_semaphore, #tpu.memory_space<semaphore_mem>>
        %dma_start3A = arith.constant 0 : i32
        %dma_start3A_148 = arith.constant 0 : i32
        %dma_start3A_149 = tpu.memref_slice %arg18[%dma_start3A, %dma_start3A_148] : memref<10112x128xf32, #tpu.memory_space<vmem_shared>> -> memref<10112x128xf32, #tpu.memory_space<vmem_shared>>
        tpu.enqueue_indirect_dma source(%arg15 : memref<128x128xf32, #tpu.memory_space<vmem>>) target(%dma_start3A_149 : memref<10112x128xf32, #tpu.memory_space<vmem_shared>>) offsets(%arg13 : memref<128xi32, #tpu.memory_space<vmem>>) semaphore(%run_scoped3A : memref<!tpu.dma_semaphore, #tpu.memory_space<semaphore_mem>>) {add = true}
        %dma_wait3A_150 = arith.constant 0 : i32
        %dma_wait3A_151 = arith.constant 0 : i32
        %dma_wait3A_152 = tpu.memref_slice %arg18[%dma_wait3A_150, %dma_wait3A_151] : memref<10112x128xf32, #tpu.memory_space<vmem_shared>> -> memref<10112x128xf32, #tpu.memory_space<vmem_shared>>
        tpu.wait_indirect_dma semaphore(%run_scoped3A : memref<!tpu.dma_semaphore, #tpu.memory_space<semaphore_mem>>) src(%arg15 : memref<128x128xf32, #tpu.memory_space<vmem>>) dst(%dma_wait3A_152 : memref<10112x128xf32, #tpu.memory_space<vmem_shared>>)
        tpu.yield
      }) : () -> ()
      "tpu.region"() ({
        %run_scoped3A = tpu.sem_alloc : memref<!tpu.dma_semaphore, #tpu.memory_space<semaphore_mem>>
        %dma_start3A = arith.constant 0 : i32
        %dma_start3A_148 = arith.constant 0 : i32
        %dma_start3A_149 = tpu.memref_slice %arg19[%dma_start3A, %dma_start3A_148] : memref<10112x16xf32, #tpu.memory_space<vmem_shared>> -> memref<10112x16xf32, #tpu.memory_space<vmem_shared>>
        tpu.enqueue_indirect_dma source(%arg16 : memref<128x16xf32, #tpu.memory_space<vmem>>) target(%dma_start3A_149 : memref<10112x16xf32, #tpu.memory_space<vmem_shared>>) offsets(%arg13 : memref<128xi32, #tpu.memory_space<vmem>>) semaphore(%run_scoped3A : memref<!tpu.dma_semaphore, #tpu.memory_space<semaphore_mem>>) {add = true}
        %dma_wait3A_150 = arith.constant 0 : i32
        %dma_wait3A_151 = arith.constant 0 : i32
        %dma_wait3A_152 = tpu.memref_slice %arg19[%dma_wait3A_150, %dma_wait3A_151] : memref<10112x16xf32, #tpu.memory_space<vmem_shared>> -> memref<10112x16xf32, #tpu.memory_space<vmem_shared>>
        tpu.wait_indirect_dma semaphore(%run_scoped3A : memref<!tpu.dma_semaphore, #tpu.memory_space<semaphore_mem>>) src(%arg16 : memref<128x16xf32, #tpu.memory_space<vmem>>) dst(%dma_wait3A_152 : memref<10112x16xf32, #tpu.memory_space<vmem_shared>>)
        tpu.yield
      }) : () -> ()
      %add3A_141 = arith.constant 2 : i32
      %add3A_142 = arith.addi %add3A_131, %add3A_141 : i32
      %lt3A_143 = arith.cmpi slt, %add3A_142, %select_n3A : i32
      %convert_element_type3A_144 = arith.extui %lt3A_143 : i1 to i32
      %cond3A_145 = arith.constant 0 : i32
      %cond3A_146 = arith.cmpi ne, %convert_element_type3A_144, %cond3A_145 : i32
      scf.if %cond3A_146 {
        %add3A_148 = arith.constant 2 : i32
        %add3A_149 = arith.addi %add3A_131, %add3A_148 : i32
        %mul3A_150 = arith.constant 32 : i32
        %mul3A_151 = arith.muli %add3A_149, %mul3A_150 : i32
        %add3A_152 = arith.addi %add3A, %mul3A_151 : i32
        %mul3A_153 = arith.constant 128 : i32
        %mul3A_154 = arith.muli %add3A_152, %mul3A_153 : i32
        %dma_start3A = tpu.memref_slice %arg6[%mul3A_154] : memref<320000xi32, #tpu.memory_space<hbm>> -> memref<128xi32, #tpu.memory_space<hbm>>
        %dma_start3A_155 = tpu.memref_slice %arg6[%mul3A_154] : memref<320000xi32, #tpu.memory_space<hbm>> -> memref<128xi32, #tpu.memory_space<hbm>>
        tpu.enqueue_dma source(%dma_start3A_155 : memref<128xi32, #tpu.memory_space<hbm>>) target(%arg11 : memref<128xi32, #tpu.memory_space<vmem>>) target_semaphore(%arg23 : memref<!tpu.dma_semaphore, #tpu.memory_space<semaphore_mem>>)
        %mul3A_156 = arith.constant 128 : i32
        %mul3A_157 = arith.muli %add3A_152, %mul3A_156 : i32
        %dma_start3A_158 = tpu.memref_slice %arg7[%mul3A_157] : memref<320000xi32, #tpu.memory_space<hbm>> -> memref<128xi32, #tpu.memory_space<hbm>>
        %dma_start3A_159 = tpu.memref_slice %arg7[%mul3A_157] : memref<320000xi32, #tpu.memory_space<hbm>> -> memref<128xi32, #tpu.memory_space<hbm>>
        tpu.enqueue_dma source(%dma_start3A_159 : memref<128xi32, #tpu.memory_space<hbm>>) target(%arg13 : memref<128xi32, #tpu.memory_space<vmem>>) target_semaphore(%arg23 : memref<!tpu.dma_semaphore, #tpu.memory_space<semaphore_mem>>)
      } else {
      }
      %while3A_147 = arith.constant 0 : i32
      scf.yield %while3A_147 : i32
    }
    %while3A_80 = arith.constant 1 : i32
    %while3A_81 = scf.for %while3A_108 = %while3A_77 to %while3A_73 step %while3A_80 iter_args(%while3A_109 = %while3A_79) -> (i32)  : i32 {
      %mul3A_110 = arith.constant 2 : i32
      %mul3A_111 = arith.muli %mul3A_110, %while3A_108 : i32
      %add3A_112 = arith.constant 0 : i32
      %add3A_113 = arith.addi %mul3A_111, %add3A_112 : i32
      %dma_wait3A = arith.constant 0 : i32
      %dma_wait3A_114 = arith.constant 0 : i32
      %dma_wait3A_115 = tpu.memref_slice %arg2[%dma_wait3A, %dma_wait3A_114] : memref<10000x128xf32, #tpu.memory_space<hbm>> -> memref<10000x128xf32, #tpu.memory_space<hbm>>
      tpu.wait_indirect_dma semaphore(%arg20 : memref<!tpu.dma_semaphore, #tpu.memory_space<semaphore_mem>>) src(%dma_wait3A_115 : memref<10000x128xf32, #tpu.memory_space<hbm>>) dst(%arg14 : memref<128x128xf32, #tpu.memory_space<vmem>>)
      %add3A_116 = arith.constant 1 : i32
      %add3A_117 = arith.addi %add3A_113, %add3A_116 : i32
      %lt3A_118 = arith.cmpi slt, %add3A_117, %select_n3A : i32
      %convert_element_type3A_119 = arith.extui %lt3A_118 : i1 to i32
      %cond3A_120 = arith.constant 0 : i32
      %cond3A_121 = arith.cmpi ne, %convert_element_type3A_119, %cond3A_120 : i32
      scf.if %cond3A_121 {
        %dma_wait3A_148 = arith.constant 0 : i32
        %dma_wait3A_149 = tpu.memref_slice %arg6[%dma_wait3A_148] : memref<320000xi32, #tpu.memory_space<hbm>> -> memref<128xi32, #tpu.memory_space<hbm>>
        %dma_wait3A_150 = arith.constant 0 : i32
        %dma_wait3A_151 = tpu.memref_slice %arg6[%dma_wait3A_150] : memref<320000xi32, #tpu.memory_space<hbm>> -> memref<128xi32, #tpu.memory_space<hbm>>
        tpu.wait_dma2 semaphore(%arg23 : memref<!tpu.dma_semaphore, #tpu.memory_space<semaphore_mem>>) src(%dma_wait3A_151 : memref<128xi32, #tpu.memory_space<hbm>>) dst(%arg11 : memref<128xi32, #tpu.memory_space<vmem>>)
        %dma_wait3A_152 = arith.constant 0 : i32
        %dma_wait3A_153 = tpu.memref_slice %arg7[%dma_wait3A_152] : memref<320000xi32, #tpu.memory_space<hbm>> -> memref<128xi32, #tpu.memory_space<hbm>>
        %dma_wait3A_154 = arith.constant 0 : i32
        %dma_wait3A_155 = tpu.memref_slice %arg7[%dma_wait3A_154] : memref<320000xi32, #tpu.memory_space<hbm>> -> memref<128xi32, #tpu.memory_space<hbm>>
        tpu.wait_dma2 semaphore(%arg23 : memref<!tpu.dma_semaphore, #tpu.memory_space<semaphore_mem>>) src(%dma_wait3A_155 : memref<128xi32, #tpu.memory_space<hbm>>) dst(%arg13 : memref<128xi32, #tpu.memory_space<vmem>>)
        %dma_start3A = arith.constant 0 : i32
        %dma_start3A_156 = arith.constant 0 : i32
        %dma_start3A_157 = tpu.memref_slice %arg2[%dma_start3A, %dma_start3A_156] : memref<10000x128xf32, #tpu.memory_space<hbm>> -> memref<10000x128xf32, #tpu.memory_space<hbm>>
        tpu.enqueue_indirect_dma source(%dma_start3A_157 : memref<10000x128xf32, #tpu.memory_space<hbm>>) target(%arg15 : memref<128x128xf32, #tpu.memory_space<vmem>>) offsets(%arg11 : memref<128xi32, #tpu.memory_space<vmem>>) semaphore(%arg21 : memref<!tpu.dma_semaphore, #tpu.memory_space<semaphore_mem>>)
      } else {
      }
      "tpu.region"() ({
        %run_scoped3A = tpu.sem_alloc : memref<!tpu.dma_semaphore, #tpu.memory_space<semaphore_mem>>
        %dma_start3A = arith.constant 0 : i32
        %dma_start3A_148 = arith.constant 0 : i32
        %dma_start3A_149 = tpu.memref_slice %arg18[%dma_start3A, %dma_start3A_148] : memref<10112x128xf32, #tpu.memory_space<vmem_shared>> -> memref<10112x128xf32, #tpu.memory_space<vmem_shared>>
        tpu.enqueue_indirect_dma source(%arg14 : memref<128x128xf32, #tpu.memory_space<vmem>>) target(%dma_start3A_149 : memref<10112x128xf32, #tpu.memory_space<vmem_shared>>) offsets(%arg12 : memref<128xi32, #tpu.memory_space<vmem>>) semaphore(%run_scoped3A : memref<!tpu.dma_semaphore, #tpu.memory_space<semaphore_mem>>) {add = true}
        %dma_wait3A_150 = arith.constant 0 : i32
        %dma_wait3A_151 = arith.constant 0 : i32
        %dma_wait3A_152 = tpu.memref_slice %arg18[%dma_wait3A_150, %dma_wait3A_151] : memref<10112x128xf32, #tpu.memory_space<vmem_shared>> -> memref<10112x128xf32, #tpu.memory_space<vmem_shared>>
        tpu.wait_indirect_dma semaphore(%run_scoped3A : memref<!tpu.dma_semaphore, #tpu.memory_space<semaphore_mem>>) src(%arg14 : memref<128x128xf32, #tpu.memory_space<vmem>>) dst(%dma_wait3A_152 : memref<10112x128xf32, #tpu.memory_space<vmem_shared>>)
        tpu.yield
      }) : () -> ()
      "tpu.region"() ({
        %run_scoped3A = tpu.sem_alloc : memref<!tpu.dma_semaphore, #tpu.memory_space<semaphore_mem>>
        %dma_start3A = arith.constant 0 : i32
        %dma_start3A_148 = arith.constant 0 : i32
        %dma_start3A_149 = tpu.memref_slice %arg19[%dma_start3A, %dma_start3A_148] : memref<10112x16xf32, #tpu.memory_space<vmem_shared>> -> memref<10112x16xf32, #tpu.memory_space<vmem_shared>>
        tpu.enqueue_indirect_dma source(%arg16 : memref<128x16xf32, #tpu.memory_space<vmem>>) target(%dma_start3A_149 : memref<10112x16xf32, #tpu.memory_space<vmem_shared>>) offsets(%arg12 : memref<128xi32, #tpu.memory_space<vmem>>) semaphore(%run_scoped3A : memref<!tpu.dma_semaphore, #tpu.memory_space<semaphore_mem>>) {add = true}
        %dma_wait3A_150 = arith.constant 0 : i32
        %dma_wait3A_151 = arith.constant 0 : i32
        %dma_wait3A_152 = tpu.memref_slice %arg19[%dma_wait3A_150, %dma_wait3A_151] : memref<10112x16xf32, #tpu.memory_space<vmem_shared>> -> memref<10112x16xf32, #tpu.memory_space<vmem_shared>>
        tpu.wait_indirect_dma semaphore(%run_scoped3A : memref<!tpu.dma_semaphore, #tpu.memory_space<semaphore_mem>>) src(%arg16 : memref<128x16xf32, #tpu.memory_space<vmem>>) dst(%dma_wait3A_152 : memref<10112x16xf32, #tpu.memory_space<vmem_shared>>)
        tpu.yield
      }) : () -> ()
      %add3A_122 = arith.constant 2 : i32
      %add3A_123 = arith.addi %add3A_113, %add3A_122 : i32
      %lt3A_124 = arith.cmpi slt, %add3A_123, %select_n3A : i32
      %convert_element_type3A_125 = arith.extui %lt3A_124 : i1 to i32
      %cond3A_126 = arith.constant 0 : i32
      %cond3A_127 = arith.cmpi ne, %convert_element_type3A_125, %cond3A_126 : i32
      scf.if %cond3A_127 {
        %add3A_148 = arith.constant 2 : i32
        %add3A_149 = arith.addi %add3A_113, %add3A_148 : i32
        %mul3A_150 = arith.constant 32 : i32
        %mul3A_151 = arith.muli %add3A_149, %mul3A_150 : i32
        %add3A_152 = arith.addi %add3A, %mul3A_151 : i32
        %mul3A_153 = arith.constant 128 : i32
        %mul3A_154 = arith.muli %add3A_152, %mul3A_153 : i32
        %dma_start3A = tpu.memref_slice %arg6[%mul3A_154] : memref<320000xi32, #tpu.memory_space<hbm>> -> memref<128xi32, #tpu.memory_space<hbm>>
        %dma_start3A_155 = tpu.memref_slice %arg6[%mul3A_154] : memref<320000xi32, #tpu.memory_space<hbm>> -> memref<128xi32, #tpu.memory_space<hbm>>
        tpu.enqueue_dma source(%dma_start3A_155 : memref<128xi32, #tpu.memory_space<hbm>>) target(%arg10 : memref<128xi32, #tpu.memory_space<vmem>>) target_semaphore(%arg22 : memref<!tpu.dma_semaphore, #tpu.memory_space<semaphore_mem>>)
        %mul3A_156 = arith.constant 128 : i32
        %mul3A_157 = arith.muli %add3A_152, %mul3A_156 : i32
        %dma_start3A_158 = tpu.memref_slice %arg7[%mul3A_157] : memref<320000xi32, #tpu.memory_space<hbm>> -> memref<128xi32, #tpu.memory_space<hbm>>
        %dma_start3A_159 = tpu.memref_slice %arg7[%mul3A_157] : memref<320000xi32, #tpu.memory_space<hbm>> -> memref<128xi32, #tpu.memory_space<hbm>>
        tpu.enqueue_dma source(%dma_start3A_159 : memref<128xi32, #tpu.memory_space<hbm>>) target(%arg12 : memref<128xi32, #tpu.memory_space<vmem>>) target_semaphore(%arg22 : memref<!tpu.dma_semaphore, #tpu.memory_space<semaphore_mem>>)
      } else {
      }
      %mul3A_128 = arith.constant 2 : i32
      %mul3A_129 = arith.muli %mul3A_128, %while3A_108 : i32
      %add3A_130 = arith.constant 1 : i32
      %add3A_131 = arith.addi %mul3A_129, %add3A_130 : i32
      %dma_wait3A_132 = arith.constant 0 : i32
      %dma_wait3A_133 = arith.constant 0 : i32
      %dma_wait3A_134 = tpu.memref_slice %arg2[%dma_wait3A_132, %dma_wait3A_133] : memref<10000x128xf32, #tpu.memory_space<hbm>> -> memref<10000x128xf32, #tpu.memory_space<hbm>>
      tpu.wait_indirect_dma semaphore(%arg21 : memref<!tpu.dma_semaphore, #tpu.memory_space<semaphore_mem>>) src(%dma_wait3A_134 : memref<10000x128xf32, #tpu.memory_space<hbm>>) dst(%arg15 : memref<128x128xf32, #tpu.memory_space<vmem>>)
      %add3A_135 = arith.constant 1 : i32
      %add3A_136 = arith.addi %add3A_131, %add3A_135 : i32
      %lt3A_137 = arith.cmpi slt, %add3A_136, %select_n3A : i32
      %convert_element_type3A_138 = arith.extui %lt3A_137 : i1 to i32
      %cond3A_139 = arith.constant 0 : i32
      %cond3A_140 = arith.cmpi ne, %convert_element_type3A_138, %cond3A_139 : i32
      scf.if %cond3A_140 {
        %dma_wait3A_148 = arith.constant 0 : i32
        %dma_wait3A_149 = tpu.memref_slice %arg6[%dma_wait3A_148] : memref<320000xi32, #tpu.memory_space<hbm>> -> memref<128xi32, #tpu.memory_space<hbm>>
        %dma_wait3A_150 = arith.constant 0 : i32
        %dma_wait3A_151 = tpu.memref_slice %arg6[%dma_wait3A_150] : memref<320000xi32, #tpu.memory_space<hbm>> -> memref<128xi32, #tpu.memory_space<hbm>>
        tpu.wait_dma2 semaphore(%arg22 : memref<!tpu.dma_semaphore, #tpu.memory_space<semaphore_mem>>) src(%dma_wait3A_151 : memref<128xi32, #tpu.memory_space<hbm>>) dst(%arg10 : memref<128xi32, #tpu.memory_space<vmem>>)
        %dma_wait3A_152 = arith.constant 0 : i32
        %dma_wait3A_153 = tpu.memref_slice %arg7[%dma_wait3A_152] : memref<320000xi32, #tpu.memory_space<hbm>> -> memref<128xi32, #tpu.memory_space<hbm>>
        %dma_wait3A_154 = arith.constant 0 : i32
        %dma_wait3A_155 = tpu.memref_slice %arg7[%dma_wait3A_154] : memref<320000xi32, #tpu.memory_space<hbm>> -> memref<128xi32, #tpu.memory_space<hbm>>
        tpu.wait_dma2 semaphore(%arg22 : memref<!tpu.dma_semaphore, #tpu.memory_space<semaphore_mem>>) src(%dma_wait3A_155 : memref<128xi32, #tpu.memory_space<hbm>>) dst(%arg12 : memref<128xi32, #tpu.memory_space<vmem>>)
        %dma_start3A = arith.constant 0 : i32
        %dma_start3A_156 = arith.constant 0 : i32
        %dma_start3A_157 = tpu.memref_slice %arg2[%dma_start3A, %dma_start3A_156] : memref<10000x128xf32, #tpu.memory_space<hbm>> -> memref<10000x128xf32, #tpu.memory_space<hbm>>
        tpu.enqueue_indirect_dma source(%dma_start3A_157 : memref<10000x128xf32, #tpu.memory_space<hbm>>) target(%arg14 : memref<128x128xf32, #tpu.memory_space<vmem>>) offsets(%arg10 : memref<128xi32, #tpu.memory_space<vmem>>) semaphore(%arg20 : memref<!tpu.dma_semaphore, #tpu.memory_space<semaphore_mem>>)
      } else {
      }
      "tpu.region"() ({
        %run_scoped3A = tpu.sem_alloc : memref<!tpu.dma_semaphore, #tpu.memory_space<semaphore_mem>>
        %dma_start3A = arith.constant 0 : i32
        %dma_start3A_148 = arith.constant 0 : i32
        %dma_start3A_149 = tpu.memref_slice %arg18[%dma_start3A, %dma_start3A_148] : memref<10112x128xf32, #tpu.memory_space<vmem_shared>> -> memref<10112x128xf32, #tpu.memory_space<vmem_shared>>
        tpu.enqueue_indirect_dma source(%arg15 : memref<128x128xf32, #tpu.memory_space<vmem>>) target(%dma_start3A_149 : memref<10112x128xf32, #tpu.memory_space<vmem_shared>>) offsets(%arg13 : memref<128xi32, #tpu.memory_space<vmem>>) semaphore(%run_scoped3A : memref<!tpu.dma_semaphore, #tpu.memory_space<semaphore_mem>>) {add = true}
        %dma_wait3A_150 = arith.constant 0 : i32
        %dma_wait3A_151 = arith.constant 0 : i32
        %dma_wait3A_152 = tpu.memref_slice %arg18[%dma_wait3A_150, %dma_wait3A_151] : memref<10112x128xf32, #tpu.memory_space<vmem_shared>> -> memref<10112x128xf32, #tpu.memory_space<vmem_shared>>
        tpu.wait_indirect_dma semaphore(%run_scoped3A : memref<!tpu.dma_semaphore, #tpu.memory_space<semaphore_mem>>) src(%arg15 : memref<128x128xf32, #tpu.memory_space<vmem>>) dst(%dma_wait3A_152 : memref<10112x128xf32, #tpu.memory_space<vmem_shared>>)
        tpu.yield
      }) : () -> ()
      "tpu.region"() ({
        %run_scoped3A = tpu.sem_alloc : memref<!tpu.dma_semaphore, #tpu.memory_space<semaphore_mem>>
        %dma_start3A = arith.constant 0 : i32
        %dma_start3A_148 = arith.constant 0 : i32
        %dma_start3A_149 = tpu.memref_slice %arg19[%dma_start3A, %dma_start3A_148] : memref<10112x16xf32, #tpu.memory_space<vmem_shared>> -> memref<10112x16xf32, #tpu.memory_space<vmem_shared>>
        tpu.enqueue_indirect_dma source(%arg16 : memref<128x16xf32, #tpu.memory_space<vmem>>) target(%dma_start3A_149 : memref<10112x16xf32, #tpu.memory_space<vmem_shared>>) offsets(%arg13 : memref<128xi32, #tpu.memory_space<vmem>>) semaphore(%run_scoped3A : memref<!tpu.dma_semaphore, #tpu.memory_space<semaphore_mem>>) {add = true}
        %dma_wait3A_150 = arith.constant 0 : i32
        %dma_wait3A_151 = arith.constant 0 : i32
        %dma_wait3A_152 = tpu.memref_slice %arg19[%dma_wait3A_150, %dma_wait3A_151] : memref<10112x16xf32, #tpu.memory_space<vmem_shared>> -> memref<10112x16xf32, #tpu.memory_space<vmem_shared>>
        tpu.wait_indirect_dma semaphore(%run_scoped3A : memref<!tpu.dma_semaphore, #tpu.memory_space<semaphore_mem>>) src(%arg16 : memref<128x16xf32, #tpu.memory_space<vmem>>) dst(%dma_wait3A_152 : memref<10112x16xf32, #tpu.memory_space<vmem_shared>>)
        tpu.yield
      }) : () -> ()
      %add3A_141 = arith.constant 2 : i32
      %add3A_142 = arith.addi %add3A_131, %add3A_141 : i32
      %lt3A_143 = arith.cmpi slt, %add3A_142, %select_n3A : i32
      %convert_element_type3A_144 = arith.extui %lt3A_143 : i1 to i32
      %cond3A_145 = arith.constant 0 : i32
      %cond3A_146 = arith.cmpi ne, %convert_element_type3A_144, %cond3A_145 : i32
      scf.if %cond3A_146 {
        %add3A_148 = arith.constant 2 : i32
        %add3A_149 = arith.addi %add3A_131, %add3A_148 : i32
        %mul3A_150 = arith.constant 32 : i32
        %mul3A_151 = arith.muli %add3A_149, %mul3A_150 : i32
        %add3A_152 = arith.addi %add3A, %mul3A_151 : i32
        %mul3A_153 = arith.constant 128 : i32
        %mul3A_154 = arith.muli %add3A_152, %mul3A_153 : i32
        %dma_start3A = tpu.memref_slice %arg6[%mul3A_154] : memref<320000xi32, #tpu.memory_space<hbm>> -> memref<128xi32, #tpu.memory_space<hbm>>
        %dma_start3A_155 = tpu.memref_slice %arg6[%mul3A_154] : memref<320000xi32, #tpu.memory_space<hbm>> -> memref<128xi32, #tpu.memory_space<hbm>>
        tpu.enqueue_dma source(%dma_start3A_155 : memref<128xi32, #tpu.memory_space<hbm>>) target(%arg11 : memref<128xi32, #tpu.memory_space<vmem>>) target_semaphore(%arg23 : memref<!tpu.dma_semaphore, #tpu.memory_space<semaphore_mem>>)
        %mul3A_156 = arith.constant 128 : i32
        %mul3A_157 = arith.muli %add3A_152, %mul3A_156 : i32
        %dma_start3A_158 = tpu.memref_slice %arg7[%mul3A_157] : memref<320000xi32, #tpu.memory_space<hbm>> -> memref<128xi32, #tpu.memory_space<hbm>>
        %dma_start3A_159 = tpu.memref_slice %arg7[%mul3A_157] : memref<320000xi32, #tpu.memory_space<hbm>> -> memref<128xi32, #tpu.memory_space<hbm>>
        tpu.enqueue_dma source(%dma_start3A_159 : memref<128xi32, #tpu.memory_space<hbm>>) target(%arg13 : memref<128xi32, #tpu.memory_space<vmem>>) target_semaphore(%arg23 : memref<!tpu.dma_semaphore, #tpu.memory_space<semaphore_mem>>)
      } else {
      }
      %while3A_147 = arith.constant 0 : i32
      scf.yield %while3A_147 : i32
    }
    %jit3A_82 = arith.constant 2 : i32
    %eq3A = arith.constant 0 : i32
    %eq3A_83 = arith.cmpi eq, %jit3A_82, %eq3A : i32
    %jit3A_84 = arith.constant 1 : i32
    %select_n3A_85 = arith.select %eq3A_83, %jit3A_84, %jit3A_82 : i32
    %rem3A_86 = arith.remsi %select_n3A, %select_n3A_85 : i32
    %ne3A_87 = arith.constant 0 : i32
    %ne3A_88 = arith.cmpi ne, %rem3A_86, %ne3A_87 : i32
    %lt3A = arith.constant 0 : i32
    %lt3A_89 = arith.cmpi slt, %rem3A_86, %lt3A : i32
    %lt3A_90 = arith.constant 0 : i32
    %lt3A_91 = arith.cmpi slt, %select_n3A_85, %lt3A_90 : i32
    %ne3A_92 = arith.xori %lt3A_89, %lt3A_91 : i1
    %and3A_93 = arith.andi %ne3A_92, %ne3A_88 : i1
    %add3A_94 = arith.addi %rem3A_86, %select_n3A_85 : i32
    %select_n3A_95 = arith.select %and3A_93, %add3A_94, %rem3A_86 : i32
    %eq3A_96 = arith.constant 1 : i32
    %eq3A_97 = arith.cmpi eq, %select_n3A_95, %eq3A_96 : i32
    %convert_element_type3A_98 = arith.extui %eq3A_97 : i1 to i32
    %cond3A_99 = arith.constant 0 : i32
    %cond3A_100 = arith.cmpi ne, %convert_element_type3A_98, %cond3A_99 : i32
    scf.if %cond3A_100 {
      %dma_wait3A = arith.constant 0 : i32
      %dma_wait3A_108 = arith.constant 0 : i32
      %dma_wait3A_109 = tpu.memref_slice %arg2[%dma_wait3A, %dma_wait3A_108] : memref<10000x128xf32, #tpu.memory_space<hbm>> -> memref<10000x128xf32, #tpu.memory_space<hbm>>
      tpu.wait_indirect_dma semaphore(%arg20 : memref<!tpu.dma_semaphore, #tpu.memory_space<semaphore_mem>>) src(%dma_wait3A_109 : memref<10000x128xf32, #tpu.memory_space<hbm>>) dst(%arg14 : memref<128x128xf32, #tpu.memory_space<vmem>>)
      "tpu.region"() ({
        %run_scoped3A = tpu.sem_alloc : memref<!tpu.dma_semaphore, #tpu.memory_space<semaphore_mem>>
        %dma_start3A = arith.constant 0 : i32
        %dma_start3A_110 = arith.constant 0 : i32
        %dma_start3A_111 = tpu.memref_slice %arg18[%dma_start3A, %dma_start3A_110] : memref<10112x128xf32, #tpu.memory_space<vmem_shared>> -> memref<10112x128xf32, #tpu.memory_space<vmem_shared>>
        tpu.enqueue_indirect_dma source(%arg14 : memref<128x128xf32, #tpu.memory_space<vmem>>) target(%dma_start3A_111 : memref<10112x128xf32, #tpu.memory_space<vmem_shared>>) offsets(%arg12 : memref<128xi32, #tpu.memory_space<vmem>>) semaphore(%run_scoped3A : memref<!tpu.dma_semaphore, #tpu.memory_space<semaphore_mem>>) {add = true}
        %dma_wait3A_112 = arith.constant 0 : i32
        %dma_wait3A_113 = arith.constant 0 : i32
        %dma_wait3A_114 = tpu.memref_slice %arg18[%dma_wait3A_112, %dma_wait3A_113] : memref<10112x128xf32, #tpu.memory_space<vmem_shared>> -> memref<10112x128xf32, #tpu.memory_space<vmem_shared>>
        tpu.wait_indirect_dma semaphore(%run_scoped3A : memref<!tpu.dma_semaphore, #tpu.memory_space<semaphore_mem>>) src(%arg14 : memref<128x128xf32, #tpu.memory_space<vmem>>) dst(%dma_wait3A_114 : memref<10112x128xf32, #tpu.memory_space<vmem_shared>>)
        tpu.yield
      }) : () -> ()
      "tpu.region"() ({
        %run_scoped3A = tpu.sem_alloc : memref<!tpu.dma_semaphore, #tpu.memory_space<semaphore_mem>>
        %dma_start3A = arith.constant 0 : i32
        %dma_start3A_110 = arith.constant 0 : i32
        %dma_start3A_111 = tpu.memref_slice %arg19[%dma_start3A, %dma_start3A_110] : memref<10112x16xf32, #tpu.memory_space<vmem_shared>> -> memref<10112x16xf32, #tpu.memory_space<vmem_shared>>
        tpu.enqueue_indirect_dma source(%arg16 : memref<128x16xf32, #tpu.memory_space<vmem>>) target(%dma_start3A_111 : memref<10112x16xf32, #tpu.memory_space<vmem_shared>>) offsets(%arg12 : memref<128xi32, #tpu.memory_space<vmem>>) semaphore(%run_scoped3A : memref<!tpu.dma_semaphore, #tpu.memory_space<semaphore_mem>>) {add = true}
        %dma_wait3A_112 = arith.constant 0 : i32
        %dma_wait3A_113 = arith.constant 0 : i32
        %dma_wait3A_114 = tpu.memref_slice %arg19[%dma_wait3A_112, %dma_wait3A_113] : memref<10112x16xf32, #tpu.memory_space<vmem_shared>> -> memref<10112x16xf32, #tpu.memory_space<vmem_shared>>
        tpu.wait_indirect_dma semaphore(%run_scoped3A : memref<!tpu.dma_semaphore, #tpu.memory_space<semaphore_mem>>) src(%arg16 : memref<128x16xf32, #tpu.memory_space<vmem>>) dst(%dma_wait3A_114 : memref<10112x16xf32, #tpu.memory_space<vmem_shared>>)
        tpu.yield
      }) : () -> ()
    } else {
    }
    %barrier3A_101 = arith.constant 0 : index
    tpu.barrier barrier_id(%barrier3A_101)
    %mul3A_102 = arith.constant 10112 : i32
    %mul3A_103 = arith.muli %arg0, %mul3A_102 : i32
    %add3A_104 = arith.addi %mul3A_103, %mul3A_2 : i32
    "tpu.region"() ({
      %run_scoped3A = tpu.sem_alloc : memref<!tpu.dma_semaphore, #tpu.memory_space<semaphore_mem>>
      %dma_start3A = arith.constant 0 : i32
      %dma_start3A_108 = tpu.memref_slice %arg8[%add3A_104, %dma_start3A] : memref<20224x128xf32, #tpu.memory_space<hbm>> -> memref<632x128xf32, #tpu.memory_space<hbm>>
      %dma_start3A_109 = arith.constant 0 : i32
      %dma_start3A_110 = tpu.memref_slice %arg18[%mul3A_2, %dma_start3A_109] : memref<10112x128xf32, #tpu.memory_space<vmem_shared>> -> memref<632x128xf32, #tpu.memory_space<vmem_shared>>
      tpu.enqueue_dma source(%dma_start3A_110 : memref<632x128xf32, #tpu.memory_space<vmem_shared>>) target(%dma_start3A_108 : memref<632x128xf32, #tpu.memory_space<hbm>>) target_semaphore(%run_scoped3A : memref<!tpu.dma_semaphore, #tpu.memory_space<semaphore_mem>>)
      %dma_wait3A = arith.constant 0 : i32
      %dma_wait3A_111 = tpu.memref_slice %arg8[%add3A_104, %dma_wait3A] : memref<20224x128xf32, #tpu.memory_space<hbm>> -> memref<632x128xf32, #tpu.memory_space<hbm>>
      %dma_wait3A_112 = arith.constant 0 : i32
      %dma_wait3A_113 = tpu.memref_slice %arg18[%mul3A_2, %dma_wait3A_112] : memref<10112x128xf32, #tpu.memory_space<vmem_shared>> -> memref<632x128xf32, #tpu.memory_space<vmem_shared>>
      tpu.wait_dma2 semaphore(%run_scoped3A : memref<!tpu.dma_semaphore, #tpu.memory_space<semaphore_mem>>) src(%dma_wait3A_113 : memref<632x128xf32, #tpu.memory_space<vmem_shared>>) dst(%dma_wait3A_111 : memref<632x128xf32, #tpu.memory_space<hbm>>)
      tpu.yield
    }) : () -> ()
    %mul3A_105 = arith.constant 10112 : i32
    %mul3A_106 = arith.muli %arg0, %mul3A_105 : i32
    %add3A_107 = arith.addi %mul3A_106, %mul3A_2 : i32
    "tpu.region"() ({
      %run_scoped3A = tpu.sem_alloc : memref<!tpu.dma_semaphore, #tpu.memory_space<semaphore_mem>>
      %dma_start3A = arith.constant 0 : i32
      %dma_start3A_108 = tpu.memref_slice %arg9[%add3A_107, %dma_start3A] : memref<20224x16xf32, #tpu.memory_space<hbm>> -> memref<632x16xf32, #tpu.memory_space<hbm>>
      %dma_start3A_109 = arith.constant 0 : i32
      %dma_start3A_110 = tpu.memref_slice %arg19[%mul3A_2, %dma_start3A_109] : memref<10112x16xf32, #tpu.memory_space<vmem_shared>> -> memref<632x16xf32, #tpu.memory_space<vmem_shared>>
      tpu.enqueue_dma source(%dma_start3A_110 : memref<632x16xf32, #tpu.memory_space<vmem_shared>>) target(%dma_start3A_108 : memref<632x16xf32, #tpu.memory_space<hbm>>) target_semaphore(%run_scoped3A : memref<!tpu.dma_semaphore, #tpu.memory_space<semaphore_mem>>)
      %dma_wait3A = arith.constant 0 : i32
      %dma_wait3A_111 = tpu.memref_slice %arg9[%add3A_107, %dma_wait3A] : memref<20224x16xf32, #tpu.memory_space<hbm>> -> memref<632x16xf32, #tpu.memory_space<hbm>>
      %dma_wait3A_112 = arith.constant 0 : i32
      %dma_wait3A_113 = tpu.memref_slice %arg19[%mul3A_2, %dma_wait3A_112] : memref<10112x16xf32, #tpu.memory_space<vmem_shared>> -> memref<632x16xf32, #tpu.memory_space<vmem_shared>>
      tpu.wait_dma2 semaphore(%run_scoped3A : memref<!tpu.dma_semaphore, #tpu.memory_space<semaphore_mem>>) src(%dma_wait3A_113 : memref<632x16xf32, #tpu.memory_space<vmem_shared>>) dst(%dma_wait3A_111 : memref<632x16xf32, #tpu.memory_space<hbm>>)
      tpu.yield
    }) : () -> ()
    return
  }
}

module attributes {stable_mosaic.version = 14 : i64} {
  func.func @body(%arg0: i32, %arg1: memref<1000x128xf32, #tpu.memory_space<vmem>>, %arg2: memref<2x1000x128xf32, #tpu.memory_space<vmem>>, %arg3: memref<2x1000x16xf32, #tpu.memory_space<vmem>>, %arg4: memref<128x128xf32, #tpu.memory_space<vmem>>, %arg5: memref<128x128xf32, #tpu.memory_space<vmem>>, %arg6: memref<1000x128xf32, #tpu.memory_space<vmem>>) attributes {dimension_semantics = [#tpu.dimension_semantics<arbitrary>], iteration_bounds = array<i64: 10>, scalar_prefetch = 0 : i64, scratch_operands = 0 : i64, tpu.core_type = #tpu.core_type<tc>, window_params = [{transform_indices = @transform_0, window_bounds = array<i64: 1000, 128>}, {transform_indices = @transform_1, window_bounds = array<i64: 2, 1000, 128>}, {transform_indices = @transform_2, window_bounds = array<i64: 2, 1000, 16>}, {pipeline_mode = #tpu.pipeline_mode<synchronous>, transform_indices = @transform_3, window_bounds = array<i64: 128, 128>}, {pipeline_mode = #tpu.pipeline_mode<synchronous>, transform_indices = @transform_4, window_bounds = array<i64: 128, 128>}, {transform_indices = @transform_5, window_bounds = array<i64: 1000, 128>}]} {
    %get3A = arith.constant 0 : index
    %get3A_0 = arith.constant 0 : index
    %get3A_1 = arith.constant 0 : index
    %get3A_2 = vector.load %arg2[%get3A, %get3A_0, %get3A_1] : memref<2x1000x128xf32, #tpu.memory_space<vmem>>, vector<1x1000x128xf32>
    %get3A_3 = vector.shape_cast %get3A_2 : vector<1x1000x128xf32> to vector<1000x128xf32>
    %get3A_4 = arith.constant 1 : index
    %get3A_5 = arith.constant 0 : index
    %get3A_6 = arith.constant 0 : index
    %get3A_7 = vector.load %arg2[%get3A_4, %get3A_5, %get3A_6] : memref<2x1000x128xf32, #tpu.memory_space<vmem>>, vector<1x1000x128xf32>
    %get3A_8 = vector.shape_cast %get3A_7 : vector<1x1000x128xf32> to vector<1000x128xf32>
    %add3A = arith.addf %get3A_3, %get3A_8 : vector<1000x128xf32>
    %get3A_9 = arith.constant 0 : index
    %get3A_10 = arith.constant 0 : index
    %get3A_11 = arith.constant 0 : index
    %get3A_12 = vector.load %arg3[%get3A_9, %get3A_10, %get3A_11] : memref<2x1000x16xf32, #tpu.memory_space<vmem>>, vector<1x1000x16xf32>
    %get3A_13 = vector.shape_cast %get3A_12 : vector<1x1000x16xf32> to vector<1000x16xf32>
    %slice3A = vector.extract_strided_slice %get3A_13 {offsets = [0, 0], sizes = [1000, 1], strides = [1, 1]} : vector<1000x16xf32> to vector<1000x1xf32>
    %get3A_14 = arith.constant 1 : index
    %get3A_15 = arith.constant 0 : index
    %get3A_16 = arith.constant 0 : index
    %get3A_17 = vector.load %arg3[%get3A_14, %get3A_15, %get3A_16] : memref<2x1000x16xf32, #tpu.memory_space<vmem>>, vector<1x1000x16xf32>
    %get3A_18 = vector.shape_cast %get3A_17 : vector<1x1000x16xf32> to vector<1000x16xf32>
    %slice3A_19 = vector.extract_strided_slice %get3A_18 {offsets = [0, 0], sizes = [1000, 1], strides = [1, 1]} : vector<1000x16xf32> to vector<1000x1xf32>
    %add3A_20 = arith.addf %slice3A, %slice3A_19 : vector<1000x1xf32>
    %max3A = arith.constant 1.000000e+00 : f32
    %max3A_21 = vector.broadcast %max3A : f32 to vector<1000x1xf32>
    %max3A_22 = arith.maximumf %add3A_20, %max3A_21 : vector<1000x1xf32>
    %div3A = vector.broadcast %max3A_22 : vector<1000x1xf32> to vector<1000x128xf32>
    %div3A_23 = arith.divf %add3A, %div3A : vector<1000x128xf32>
    %get3A_24 = arith.constant 0 : index
    %get3A_25 = arith.constant 0 : index
    %get3A_26 = vector.load %arg1[%get3A_24, %get3A_25] : memref<1000x128xf32, #tpu.memory_space<vmem>>, vector<1000x128xf32>
    %get3A_27 = arith.constant 0 : index
    %get3A_28 = arith.constant 0 : index
    %get3A_29 = vector.load %arg4[%get3A_27, %get3A_28] : memref<128x128xf32, #tpu.memory_space<vmem>>, vector<128x128xf32>
    %dot_general3A = arith.constant dense<0.000000e+00> : vector<1000x128xf32>
    %dot_general3A_30 = tpu.matmul %get3A_26, %get3A_29, %dot_general3A {dimension_numbers = #tpu.dot_dimension_numbers<[1], [0], [0], [1], [0, 0, 1, 1], [], []>, transpose_lhs_hint = false} : vector<1000x128xf32>, vector<128x128xf32>, vector<1000x128xf32> -> vector<1000x128xf32>
    %get3A_31 = arith.constant 0 : index
    %get3A_32 = arith.constant 0 : index
    %get3A_33 = vector.load %arg5[%get3A_31, %get3A_32] : memref<128x128xf32, #tpu.memory_space<vmem>>, vector<128x128xf32>
    %dot_general3A_34 = arith.constant dense<0.000000e+00> : vector<1000x128xf32>
    %dot_general3A_35 = tpu.matmul %div3A_23, %get3A_33, %dot_general3A_34 {dimension_numbers = #tpu.dot_dimension_numbers<[1], [0], [0], [1], [0, 0, 1, 1], [], []>, transpose_lhs_hint = false} : vector<1000x128xf32>, vector<128x128xf32>, vector<1000x128xf32> -> vector<1000x128xf32>
    %add3A_36 = arith.addf %dot_general3A_30, %dot_general3A_35 : vector<1000x128xf32>
    %max3A_37 = arith.constant 0.000000e+00 : f32
    %max3A_38 = vector.broadcast %max3A_37 : f32 to vector<1000x128xf32>
    %max3A_39 = arith.maximumf %add3A_36, %max3A_38 : vector<1000x128xf32>
    %swap3A = arith.constant 0 : index
    %swap3A_40 = arith.constant 0 : index
    %swap3A_41 = vector.load %arg6[%swap3A, %swap3A_40] : memref<1000x128xf32, #tpu.memory_space<vmem>>, vector<1000x128xf32>
    tpu.vector_store %arg6[%swap3A, %swap3A_40], %max3A_39 {strides = array<i32>} : memref<1000x128xf32, #tpu.memory_space<vmem>>, vector<1000x128xf32>,
    return
  }
  func.func @transform_0(%arg0: i32) -> (i32, i32) {
    %c0_i32 = arith.constant 0 : i32
    %c0_i32_0 = arith.constant 0 : i32
    return %arg0, %c0_i32 : i32, i32
  }
  func.func @transform_1(%arg0: i32) -> (i32, i32, i32) {
    %c0_i32 = arith.constant 0 : i32
    %c0_i32_0 = arith.constant 0 : i32
    %c0_i32_1 = arith.constant 0 : i32
    return %c0_i32, %arg0, %c0_i32_0 : i32, i32, i32
  }
  func.func @transform_2(%arg0: i32) -> (i32, i32, i32) {
    %c0_i32 = arith.constant 0 : i32
    %c0_i32_0 = arith.constant 0 : i32
    %c0_i32_1 = arith.constant 0 : i32
    return %c0_i32, %arg0, %c0_i32_0 : i32, i32, i32
  }
  func.func @transform_3(%arg0: i32) -> (i32, i32) {
    %c0_i32 = arith.constant 0 : i32
    %c0_i32_0 = arith.constant 0 : i32
    %c0_i32_1 = arith.constant 0 : i32
    return %c0_i32, %c0_i32_0 : i32, i32
  }
  func.func @transform_4(%arg0: i32) -> (i32, i32) {
    %c0_i32 = arith.constant 0 : i32
    %c0_i32_0 = arith.constant 0 : i32
    %c0_i32_1 = arith.constant 0 : i32
    return %c0_i32, %c0_i32_0 : i32, i32
  }
  func.func @transform_5(%arg0: i32) -> (i32, i32) {
    %c0_i32 = arith.constant 0 : i32
    %c0_i32_0 = arith.constant 0 : i32
    return %arg0, %c0_i32 : i32, i32
  }
}

</mosaic_0001>

<sc_bundles>
// kernel: kernel.4.cloned.1.call-start
scs
__scs_entry_jumppad:
0x0: {  	(pc) =	sbr.rel $0x88, $3  }
0x1: {  	(tag) =	ssettag $0x0;
	lr =	simm.s32 $0x1  }
0x2: {  	[smem:$0x3F9E] =	sst lr;
	_ =	strace $0xD0000000  }
0x3: {  	_ = 	snop  }
0x4: {  	_ = 	snop  }
0x5: {  	_ = 	snop  }
0x6: {  	_ = 	snop  }
0x7: {  	_ = 	snop  }
__scs_overlays_trampoline_lowered:
0x8: {  	[smem:$0x3FAD] =	sst s0  }
0x9: {  	[smem:$0x3FAE] =	sst s1  }
0xa: {  	[smem:$0x3FAF] =	sst s2  }
0xb: {  	[smem:$0x3FB0] =	sst s3  }
0xc: {  	[smem:$0x3FB1] =	sst s4  }
0xd: {  	[smem:$0x3FB2] =	sst s5  }
0xe: {  	[smem:$0x3FB3] =	sst s6  }
0xf: {  	[smem:$0x3FB4] =	sst s7  }
0x10: {  	[smem:$0x3FB5] =	sst s8  }
0x11: {  	[smem:$0x3FB6] =	sst s9;
	s0 =	simm.s32 @!p0 $0x0  }
0x12: {  	s1 =	sld [smem:$0x3F9C];
	s0 =	simm.s32 @p0 $0x1  }
0x13: {  	[smem:$0x3FB7] =	sst s0;
	s0 =	simm.s32 @!p1 $0x0  }
0x14: {  	s2 =	sld [smem:$0x3F9B];
	s0 =	simm.s32 @p1 $0x1  }
0x15: {  	[smem:$0x3FB8] =	sst s0;
	s0 =	simm.s32 @!p2 $0x0  }
0x16: {  	s3 =	sld [smem:$0x3FDB];
	s0 =	simm.s32 @p2 $0x1  }
0x17: {  	s4 =	simm.s32 $0x1BF5;
	[smem:$0x3FBA] =	sst s0  }
0x18: {  	s0 =	sld [smem:$0x3F9D];
	_ =	swait.ge [sflag:s4], $0x0  }
0x19: {  	s7 =	sld [smem:$0x3F9E]  }
0x1a: {  	s8 =	sadd.s32 $0xFFFFE003, lr  }
0x1b: {  	s9 =	sadd.s32 $0xFFFFFEF7, lr;
	s5 =	simm.s32 $0xFFFFFFFF;
	p2 =	slt.u32 s8, $0xFFFFF086  }
0x1c: {  	p1 =	slt.u32 s9, $0xF7A;
	s5 =	simm.s32 @!p2 $0x0  }
0x1d: {  	s5 =	simm.s32 @p1 $0x1;
	p0 =	seq.s32 s7, s2  }
0x1e: {  	s7 =	smul.u32 @!p0 $0xF7A, s2;
	p2 =	seq.s32 @!p0 s5, $0x0  }
0x1f: {  	s9 =	smul.u32 $0xF7A, s1;
	s8 =	simm.s32 @!p0 $0x1BF5;
	p2 =	por !p2, p0  }
0x20: {  	[sflag:s8] =	ssyncset.s32 @!p0 $0xFFFFF086;
	s6 =	sadd.s32 @!p0 s3, s7;
	s7 =	simm.s32 @!p0 $0x108  }
0x21: {  	s3 =	sadd.s32 s3, s9;
	s6 =	sadd.s32 @!p0 $0x88, s6;
	s7 =	simm.s32 @p2 $0x1082  }
0x22: {  	[simem:s7], [sflag:s8] =	dma.local @!p0 [hbm:s6], $0xF7A  }
0x23: {  	s9 =	sor.u32 $0xD0000000, s2;
	s6 =	simm.s32 $0x108;
	_ =	swait.ge @!p0 [sflag:s8], $0x0  }
0x24: {  	s3 =	sadd.s32 $0x88, s3;
	s6 =	simm.s32 @!p1 $0x1082;
	[sflag:s4] =	ssyncset.s32 $0xFFFFF086  }
0x25: {  	[simem:s6], [sflag:s4] =	dma.local [hbm:s3], $0xF7A  }
0x26: {  	[smem:$0x3F9E] =	sst s1;
	(tag) =	ssettag s2;
	_ =	strace s9  }
0x27: {  	s1 =	sld [smem:$0x3FAE]  }
0x28: {  	s2 =	sld [smem:$0x3FAF]  }
0x29: {  	s4 =	sld [smem:$0x3FB1]  }
0x2a: {  	p0 =	seq.s32 s5, $0x0;
	s5 =	sld [smem:$0x3FB2]  }
0x2b: {  	s6 =	sld [smem:$0x3FB3]  }
0x2c: {  	s7 =	sld [smem:$0x3FB4]  }
0x2d: {  	s3 =	simm.s32 $0x108;
	s8 =	sld [smem:$0x3FB5]  }
0x2e: {  	s3 =	simm.s32 @!p0 $0x1082;
	s9 =	sld [smem:$0x3FB6]  }
0x2f: {  	lr =	sadd.s32 s0, s3;
	s0 =	sld [smem:$0x3FAD]  }
0x30: {  	s3 =	sld [smem:$0x3FB0]  }
0x31: {  	[smem:$0x3FB9] =	sst s10  }
0x32: {  	s10 =	sld [smem:$0x3FB7];
	_ =	sdelay $0x3  }
0x33: {  	p0 =	seq.s32 s10, $0x1;
	s10 =	sld [smem:$0x3FB9];
	_ =	sdelay $0x3  }
0x34: {  	[smem:$0x3FB9] =	sst s10  }
0x35: {  	s10 =	sld [smem:$0x3FB8];
	_ =	sdelay $0x3  }
0x36: {  	p1 =	seq.s32 s10, $0x1;
	s10 =	sld [smem:$0x3FB9];
	_ =	sdelay $0x3  }
0x37: {  	[smem:$0x3FB9] =	sst s10  }
0x38: {  	s10 =	sld [smem:$0x3FBA]  }
0x39: {  	_ = 	snop;
	(pc) =	sbr.ind lr, $3  }
0x3a: {  	_ = 	snop  }
0x3b: {  	_ = 	snop  }
0x3c: {  	p2 =	seq.s32 s10, $0x1;
	s10 =	sld [smem:$0x3FB9]  }
0x3d: {  	_ =	shalt  }
0x3e: {  	_ =	shalt  }
0x3f: {  	_ =	shalt  }
0x40: {  	_ =	shalt  }
0x41: {  	_ =	shalt  }
0x42: {  	_ =	shalt  }
0x43: {  	_ =	shalt  }
0x44: {  	_ =	shalt  }
0x45: {  	_ =	shalt  }
0x46: {  	_ =	shalt  }
0x47: {  	_ =	shalt  }
0x48: {  	_ =	shalt  }
0x49: {  	_ =	shalt  }
0x4a: {  	_ =	shalt  }
0x4b: {  	_ =	shalt  }
0x4c: {  	_ =	shalt  }
0x4d: {  	_ =	shalt  }
0x4e: {  	_ =	shalt  }
0x4f: {  	_ =	shalt  }
0x50: {  	_ =	shalt  }
0x51: {  	_ =	shalt  }
0x52: {  	_ =	shalt  }
0x53: {  	_ =	shalt  }
0x54: {  	_ =	shalt  }
0x55: {  	_ =	shalt  }
0x56: {  	_ =	shalt  }
0x57: {  	_ =	shalt  }
0x58: {  	_ =	shalt  }
0x59: {  	_ =	shalt  }
0x5a: {  	_ =	shalt  }
0x5b: {  	_ =	shalt  }
0x5c: {  	_ =	shalt  }
0x5d: {  	_ =	shalt  }
0x5e: {  	_ =	shalt  }
0x5f: {  	_ =	shalt  }
0x60: {  	_ =	shalt  }
0x61: {  	_ =	shalt  }
0x62: {  	_ =	shalt  }
0x63: {  	_ =	shalt  }
0x64: {  	_ =	shalt  }
0x65: {  	_ =	shalt  }
0x66: {  	_ =	shalt  }
0x67: {  	_ =	shalt  }
0x68: {  	_ =	shalt  }
0x69: {  	_ =	shalt  }
0x6a: {  	_ =	shalt  }
0x6b: {  	_ =	shalt  }
0x6c: {  	_ =	shalt  }
0x6d: {  	_ =	shalt  }
0x6e: {  	_ =	shalt  }
0x6f: {  	_ =	shalt  }
0x70: {  	_ =	shalt  }
0x71: {  	_ =	shalt  }
0x72: {  	_ =	shalt  }
0x73: {  	_ =	shalt  }
0x74: {  	_ =	shalt  }
0x75: {  	_ =	shalt  }
0x76: {  	_ =	shalt  }
0x77: {  	_ =	shalt  }
0x78: {  	_ =	shalt  }
0x79: {  	_ =	shalt  }
0x7a: {  	_ =	shalt  }
0x7b: {  	_ =	shalt  }
0x7c: {  	_ =	shalt  }
0x7d: {  	_ =	shalt  }
0x7e: {  	_ =	shalt  }
0x7f: {  	_ =	shalt  }
0x80: {  	_ =	shalt  }
0x81: {  	_ =	shalt  }
0x82: {  	_ =	shalt  }
0x83: {  	_ =	shalt  }
0x84: {  	_ =	shalt  }
0x85: {  	_ =	shalt  }
0x86: {  	_ =	shalt  }
0x87: {  	_ =	shalt  }
.Lfunc_end0:
.L_simem_size_0:
called_computation_lowered:
.L_overlay_start_0:
0x88: {  	s2 =	sld [smem:$0x3FD9]  }
0x89: {  	s3 =	sld [smem:$0x3FFE];
	_ =	sdelay $0x1  }
0x8a: {  	s1 =	srdreg.scid  }
0x8b: {  	s0 =	sand.u32 $0x1, s1  }
0x8c: {  	s17 =	sshll.u32 s0, $0xA;
	s2 =	sadd.s32 s3, s2  }
0x8d: {  	s2 =	sadd.s32 s2, s17  }
0x8e: {  	[smem:$0x3FC5] =	sst s2  }
0x8f: {  	_ = 	snop  }
0x90: {  	s2 =	sld [smem:$0x3FC9]  }
0x91: {  	s18 =	sld [smem:$0x3FD0];
	(tm) =	ssettm $0x1  }
0x92: {  	s4 =	sld [smem:$0x3FFB];
	_ =	sdelay $0x3  }
0x93: {  	_ =	strace s4  }
0x94: {  	s4 =	sld [smem:$0x3FFC];
	_ =	sdelay $0x3  }
0x95: {  	_ =	strace s4  }
0x96: {  	s4 =	sld [smem:$0x3FFD];
	_ =	sdelay $0x3  }
0x97: {  	_ =	strace s4  }
0x98: {  	_ =	strace $0x8FFFFFFF  }
0x99: {  	s19 =	sld [smem:$0x3FDB];
	_ =	sdelay $0x1  }
0x9a: {  	s5 =	simm.s32 $_scs_section_size  }
0x9b: {  	s6 =	simm.s32 $_size__tile_overlayer_lowered;
	s7 =	simm.s32 $_tile_overlayer_lowered  }
0x9c: {  	s22 =	simm.s32 $0x1BFF;
	s21 =	sshll.u32 s7, $0x1;
	s4 =	sadd.s32 s5, s19  }
0x9d: {  	s8 =	simm.s32 $0x0;
	s20 =	sshll.u32 s6, $0x1;
	s6 =	sadd.s32 s21, s4  }
0x9e: {  	[timem:s8], [sflag:s22] =	dma.local [hbm:s6], s20  }
0x9f: {  	_ =	swait.ge [sflag:s22], s20  }
0xa0: {  	s5 =	ssub.s32 $0x0, s20;
	[sflag:s22] =	ssyncset.done $0x0  }
0xa1: {  	[sflag:s22] =	ssyncadd.s32 s5;
	_ =	sdelay $0x1  }
0xa2: {  	s23 =	simm.s32 $0x1B8B  }
0xa3: {  	_ =	swait.ge [sflag:s23], $0x1  }
0xa4: {  	[sflag:s23] =	ssyncset.done $0x0  }
0xa5: {  	s25 =	simm.s32 $0x1B8E;
	s24 =	sld [smem:$0x3FFE];
	[sflag:s23] =	ssyncadd.s32 $0xFFFFFFFF  }
0xa6: {  	s26 =	simm.s32 $execute0_lowered;
	[smem:$0x3FD2] =	sst s25  }
0xa7: {  	s6 =	sshll.u32 s26, $0x1;
	_ =	strace $0x80000046;
	[dreg:$0x1] =	wrdreg $0xFFFFFFFF  }
0xa8: {  	s28 =	simm.s32 $_size_execute0_lowered;
	s4 =	sadd.s32 s4, s6;
	[dreg:$0x0] =	wrdreg $0x0  }
0xa9: {  	s6 =	sshll.u32 s28, $0x1;
	[dreg:$0x2] =	wrdreg s4  }
0xaa: {  	[dreg:$0x3] =	wrdreg s6  }
0xab: {  	[dreg:$0x4] =	wrdreg $0xC0  }
0xac: {  	_ =	task [dreg:s8], $0x5FFFF  }
0xad: {  	[dreg:$0x1] =	wrdreg $0xFFFFFFFF  }
0xae: {  	[dreg:$0x0] =	wrdreg $0x60  }
0xaf: {  	[dreg:$0x2] =	wrdreg s2  }
0xb0: {  	[dreg:$0x3] =	wrdreg s24  }
0xb1: {  	[dreg:$0x4] =	wrdreg s18  }
0xb2: {  	[dreg:$0x5] =	wrdreg $0x92000  }
0xb3: {  	[dreg:$0x6] =	wrdreg $0x1CE000  }
0xb4: {  	[dreg:$0x7] =	wrdreg $0x9  }
0xb5: {  	_ =	task.clear_ibuf [dreg:s8], $0x8FFFF;
	_ =	strace $0x90000046  }
0xb6: {  	s29 =	simm.s32 $0x9;
	_ =	strace $0x80000048  }
0xb7: {  	_ =	swait.ge [sflag:s29], $0x1  }
0xb8: {  	[sflag:s29] =	ssyncadd.s32 $0xFFFFFFFF  }
0xb9: {  	_ =	strace $0x90000048  }
0xba: {  	_ =	sfence  }
0xbb: {  	s30 =	sld [smem:$0x0];
	_ =	sdelay $0x2  }
0xbc: {  	s31 =	sshll.u32 s1, $0xD;
	s1 =	sshrl.u32 s1, $0x2  }
0xbd: {  	s3 =	sand.u32 $0x4000, s31;
	s1 =	sadd.s32 s1, s30  }
0xbe: {  	s0 =	sor.u32 s3, s0;
	s1 =	sshll.u32 s1, $0x11  }
0xbf: {  	s0 =	sor.u32 s1, s0  }
0xc0: {  	s0 =	sadd.s32 $0x8F2B, s0  }
0xc1: {  	[sflag:s0] =	ssyncadd.remote.s32 $0x1  }
0xc2: {  	_ =	sfence.sel $0xFFFF  }
0xc3: {  	[dreg:$0x0] =	wrdreg $0xFFFFFFFF;
	(pc) =	sbr.abs _section_cstart, $3  }
0xc4: {  	[dreg:$0x1] =	wrdreg $0xFFFFFFFF  }
0xc5: {  	_ =	task.clear_ibuf [dreg:s8], $0x2FFFF;
	_ =	strace $0x9FFFFFFF  }
0xc6: {  	(tm) =	ssettm $0x7FFFFFFF  }
0xc7: {  	_ =	shalt  }
tec
execute0_lowered:
.L_overlay_start_1:
0x0: {  	(tag) =	ssettag $0x1  }
0x1: {  	s1 =	rddreg [dreg:$0x0]  }
0x2: {  	s0 =	rddreg [dreg:$0x1]  }
0x3: {  	s2 =	rddreg [dreg:$0x2]  }
0x4: {  	s3 =	rddreg [dreg:$0x3]  }
0x5: {  	s4 =	rddreg [dreg:$0x4]  }
0x6: {  	s6 =	srdreg.scid;
	s18 =	stileid.u32  }
0x7: {  	s5 =	simm.s32 $0x0;
	s30 =	simm.s32 $0x200;
	s31 =	simm.s32 $0x5  }
0x8: {  	s6 =	sand.u32 $0x1, s6;
	s7 =	smul.u32 $0x278, s18;
	[smem:$0x7FF] =	sst s5  }
0x9: {  	s9 =	sadd.s32 $0x14E00, s0;
	s14 =	sadd.s32 $0x14C00, s0;
	s15 =	sadd.s32 $0x14A00, s0  }
0xa: {  	s11 =	sadd.s32 $0xAC00, s0;
	_ =	strace $0x80000047;
	[dreg:$0x6] =	wrdreg s9  }
0xb: {  	s12 =	sadd.s32 $0xE00, s0;
	s10 =	smul.u32 $0x4F000, s18;
	[dreg:$0x7] =	wrdreg s14  }
0xc: {  	s25 =	sshll.u32 s18, $0x5;
	s8 =	smul.u32 $0x2780, s6;
	[dreg:$0x8] =	wrdreg s15  }
0xd: {  	s17 =	ssub.s32 $0x2, s6;
	s14 =	sshll.u32 s18, $0x1;
	s15 =	smul.u32 $0x9E00, s18  }
0xe: {  	s13 =	sshrl.u32 s17, $0x1;
	s14 =	sor.u32 s6, s14;
	s19 =	sshrl.u32 s10, $0x2  }
0xf: {  	s21 =	sadd.s32 $0x80, s7;
	s6 =	sshll.u32 s6, $0x4;
	s8 =	sadd.s32 s7, s8  }
0x10: {  	s13 =	ssub.s32 s17, s13;
	s9 =	sadd.s32 s19, s3;
	s20 =	sshrl.u32 s15, $0x2  }
0x11: {  	s17 =	sshll.u32 s14, $0x4;
	s15 =	sshll.u32 s21, $0x4;
	s14 =	ssub.s32 $0x9E3, s14  }
0x12: {  	s16 =	sshll.u32 s8, $0x4;
	s10 =	sadd.s32 s20, s4;
	s22 =	sadd.s32 s11, s17  }
0x13: {  	s23 =	sadd.s32 s12, s17;
	s24 =	sor.u32 $0x200, s17;
	s8 =	sshll.u32 s8, $0x1  }
0x14: {  	s19 =	sadd.s32 s15, s4;
	s29 =	smax.u32 s13, $0x1;
	s13 =	simm.s32 $0x4200  }
0x15: {  	s0 =	sadd.s32 s16, s0;
	s16 =	sshll.u32 s21, $0x7;
	[dreg:$0xa] =	wrdreg s22  }
0x16: {  	[dreg:$0xb] =	wrdreg s23;
	s17 =	sadd.s32 s11, s24;
	s2 =	sadd.s32 s2, s8  }
0x17: {  	s26 =	sadd.s32 s12, s24;
	s11 =	sadd.s32 s25, s11;
	[dreg:$0xf] =	wrdreg s19  }
0x18: {  	s22 =	sadd.s32 $0x180, s7;
	s23 =	sadd.s32 $0x200, s7;
	[dreg:$0xc] =	wrdreg s17  }
0x19: {  	s8 =	simm.s32 $0x180;
	s16 =	sadd.s32 s16, s3;
	[dreg:$0xd] =	wrdreg s2  }
0x1a: {  	[dreg:$0xe] =	wrdreg s26;
	s2 =	sadd.s32 s25, s12;
	s12 =	sadd.s32 $0x100, s7  }
0x1b: {  	s17 =	sadd.s32 s6, s11;
	s25 =	sshll.u32 s22, $0x7;
	s26 =	sshll.u32 s23, $0x7  }
0x1c: {  	s28 =	sadd.s32 $0x15600, s0;
	s0 =	simm.s32 $0x8200;
	s11 =	simm.s32 $0x1  }
0x1d: {  	[dreg:$0x9] =	wrdreg s16;
	s18 =	sadd.s32 s6, s2;
	s16 =	sand.u32 $0x20, s14  }
0x1e: {  	s20 =	sshll.u32 s12, $0x7;
	s21 =	sshll.u32 s12, $0x4;
	s7 =	sadd.s32 s25, s3  }
0x1f: {  	s6 =	sshll.u32 s22, $0x4;
	s24 =	sadd.s32 s26, s3;
	s26 =	sshrl.u32 s14, $0x5  }
0x20: {  	s12 =	simm.s32 $0x4;
	s2 =	sadd.s32 s20, s3;
	[dreg:$0x12] =	wrdreg s7  }
0x21: {  	s14 =	simm.s32 $0x0;
	s6 =	sadd.s32 s6, s4;
	[dreg:$0x10] =	wrdreg s2  }
0x22: {  	p0 =	seq.s32 s16, $0x0;
	s2 =	sadd.s32 s21, s4;
	[dreg:$0x13] =	wrdreg s6  }
0x23: {  	s7 =	simm.s32 $0x80;
	[dreg:$0x11] =	wrdreg s2;
	s2 =	sshll.u32 s23, $0x4  }
0x24: {  	s6 =	simm.s32 $0x100;
	s25 =	sadd.s32 s2, s4;
	s2 =	simm.s32 $0x8A00  }
.LBB2_1:
0x25: {  	s15 =	rddreg [dreg:$0x6]  }
0x26: {  	[tilespmem:s30], [sflag:$0x5] =	stream.linear.gather [hbm4b:s15+s5], $0x4000, $0x38;
	[tilespmem:$0x1F580] =	vst v63  }
0x27: {  	_ =	swait.ge [sflag:s31], $0x4000  }
0x28: {  	[sflag:s31] =	ssyncset.done $0x0  }
0x29: {  	s16 =	rddreg [dreg:$0x7];
	[sflag:s31] =	ssyncadd.s32 $0xFFFFC000  }
0x2a: {  	[tilespmem:s0], [sflag:$0x5] =	stream.linear.gather [hbm4b:s16+s5], $0x800, $0x38;
	[tilespmem:$0x1F580] =	vst v63  }
0x2b: {  	_ =	swait.ge [sflag:s31], $0x800  }
0x2c: {  	[sflag:s31] =	ssyncset.done $0x0  }
0x2d: {  	s19 =	rddreg [dreg:$0x8];
	[sflag:s31] =	ssyncadd.s32 $0xFFFFF800  }
0x2e: {  	[tilespmem:s2], [sflag:$0x5] =	stream.linear.gather [hbm4b:s19+s5], $0x800, $0x38;
	[tilespmem:$0x1F580] =	vst v63  }
0x2f: {  	_ =	swait.ge [sflag:s31], $0x800  }
0x30: {  	[sflag:s31] =	ssyncset.done $0x0  }
0x31: {  	[sflag:s31] =	ssyncadd.s32 $0xFFFFF800  }
0x32: {  	[spmem:s9] =	stream.linear.scatter [tilespmem:s30], [sflag:$0x5], $0x4000, $0x38;
	[tilespmem:$0x1F580] =	vst v63  }
0x33: {  	_ =	swait.ge [sflag:s31], $0x4000  }
0x34: {  	[sflag:s31] =	ssyncset.done $0x0  }
0x35: {  	[sflag:s31] =	ssyncadd.s32 $0xFFFFC000  }
0x36: {  	[spmem:s10] =	stream.linear.scatter [tilespmem:s2], [sflag:$0x5], $0x800, $0x38;
	[tilespmem:$0x1F580] =	vst v63  }
0x37: {  	_ =	swait.ge [sflag:s31], $0x800  }
0x38: {  	[sflag:s31] =	ssyncset.done $0x0  }
0x39: {  	s20 =	rddreg [dreg:$0x9];
	[sflag:s31] =	ssyncadd.s32 $0xFFFFF800  }
0x3a: {  	[spmem:s20] =	stream.linear.scatter [tilespmem:s30], [sflag:$0x5], $0x4000, $0x38;
	[tilespmem:$0x1F580] =	vst v63  }
0x3b: {  	_ =	swait.ge [sflag:s31], $0x4000  }
0x3c: {  	[sflag:s31] =	ssyncset.done $0x0  }
0x3d: {  	s21 =	rddreg [dreg:$0xf];
	[sflag:s31] =	ssyncadd.s32 $0xFFFFC000  }
0x3e: {  	[spmem:s21] =	stream.linear.scatter [tilespmem:s2], [sflag:$0x5], $0x800, $0x38;
	[tilespmem:$0x1F580] =	vst v63  }
0x3f: {  	_ =	swait.ge [sflag:s31], $0x800  }
0x40: {  	[sflag:s31] =	ssyncset.done $0x0  }
0x41: {  	s22 =	rddreg [dreg:$0x10];
	[sflag:s31] =	ssyncadd.s32 $0xFFFFF800  }
0x42: {  	[spmem:s22] =	stream.linear.scatter [tilespmem:s30], [sflag:$0x5], $0x4000, $0x38;
	[tilespmem:$0x1F580] =	vst v63  }
0x43: {  	_ =	swait.ge [sflag:s31], $0x4000  }
0x44: {  	[sflag:s31] =	ssyncset.done $0x0  }
0x45: {  	s23 =	rddreg [dreg:$0x11];
	[sflag:s31] =	ssyncadd.s32 $0xFFFFC000  }
0x46: {  	[spmem:s23] =	stream.linear.scatter [tilespmem:s2], [sflag:$0x5], $0x800, $0x38;
	[tilespmem:$0x1F580] =	vst v63  }
0x47: {  	_ =	swait.ge [sflag:s31], $0x800  }
0x48: {  	[sflag:s31] =	ssyncset.done $0x0  }
0x49: {  	s16 =	rddreg [dreg:$0x12];
	[sflag:s31] =	ssyncadd.s32 $0xFFFFF800  }
0x4a: {  	[spmem:s16] =	stream.linear.scatter [tilespmem:s30], [sflag:$0x5], $0x4000, $0x38;
	[tilespmem:$0x1F580] =	vst v63  }
0x4b: {  	_ =	swait.ge [sflag:s31], $0x4000  }
0x4c: {  	[sflag:s31] =	ssyncset.done $0x0  }
0x4d: {  	s19 =	rddreg [dreg:$0x13];
	[sflag:s31] =	ssyncadd.s32 $0xFFFFC000  }
0x4e: {  	[spmem:s19] =	stream.linear.scatter [tilespmem:s2], [sflag:$0x5], $0x800, $0x38;
	[tilespmem:$0x1F580] =	vst v63  }
0x4f: {  	_ =	swait.ge [sflag:s31], $0x800  }
0x50: {  	[sflag:s31] =	ssyncset.done $0x0  }
0x51: {  	[sflag:s31] =	ssyncadd.s32 $0xFFFFF800  }
0x52: {  	[spmem:s24] =	stream.linear.scatter [tilespmem:s30], [sflag:$0x5], $0x3C00, $0x38;
	[tilespmem:$0x1F580] =	vst v63  }
0x53: {  	_ =	swait.ge [sflag:s31], $0x3C00  }
0x54: {  	[sflag:s31] =	ssyncset.done $0x0  }
0x55: {  	[sflag:s31] =	ssyncadd.s32 $0xFFFFC400  }
0x56: {  	[spmem:s25] =	stream.linear.scatter [tilespmem:s2], [sflag:$0x5], $0x780, $0x38;
	[tilespmem:$0x1F580] =	vst v63  }
0x57: {  	_ =	swait.ge [sflag:s31], $0x780  }
0x58: {  	[sflag:s31] =	ssyncset.done $0x0  }
0x59: {  	[sflag:s31] =	ssyncadd.s32 $0xFFFFF880  }
0x5a: {  	[bflag:$0x0] =	sbarrier.arrive $0xFFFF  }
0x5b: {  	s20 =	rddreg [dreg:$0xa]  }
0x5c: {  	[tilespmem:s5], [sflag:$0x5] =	stream.linear.gather [hbm4b:s20+s5], $0x80, $0x38;
	[tilespmem:$0x1F580] =	vst v63  }
0x5d: {  	_ =	swait.ge [sflag:s31], $0x80  }
0x5e: {  	[sflag:s31] =	ssyncset.done $0x0  }
0x5f: {  	s21 =	rddreg [dreg:$0xb];
	[sflag:s31] =	ssyncadd.s32 $0xFFFFFF80  }
0x60: {  	[tilespmem:s6], [sflag:$0x5] =	stream.linear.gather [hbm4b:s21+s5], $0x80, $0x38;
	[tilespmem:$0x1F580] =	vst v63  }
0x61: {  	_ =	swait.ge [sflag:s31], $0x80  }
0x62: {  	[sflag:s31] =	ssyncset.done $0x0  }
0x63: {  	[sflag:s31] =	ssyncadd.s32 $0xFFFFFF80  }
0x64: {  	[tilespmem:s30], [sflag:$0x1] =	stream.indirect.gather [hbm4b:s1+s7], $0x80, s5, s7, $0xb8;
	[tilespmem:$0x1F580] =	vst v63  }
0x65: {  	s22 =	rddreg [dreg:$0xc]  }
0x66: {  	[tilespmem:s7], [sflag:$0x4] =	stream.linear.gather [hbm4b:s22+s5], $0x80, $0x38;
	[tilespmem:$0x1F580] =	vst v63  }
0x67: {  	s23 =	rddreg [dreg:$0xe]  }
0x68: {  	[tilespmem:s8], [sflag:$0x4] =	stream.linear.gather [hbm4b:s23+s5], $0x80, $0x38;
	[tilespmem:$0x1F580] =	vst v63  }
0x69: {  	_ =	swait.ge [sflag:s11], $0x4000  }
0x6a: {  	[sflag:s11] =	ssyncset.done $0x0  }
0x6b: {  	[sflag:s11] =	ssyncadd.s32 $0xFFFFC000  }
0x6c: {  	_ =	swait.ge [sflag:s12], $0x80  }
0x6d: {  	[sflag:s12] =	ssyncset.done $0x0  }
0x6e: {  	[sflag:s12] =	ssyncadd.s32 $0xFFFFFF80  }
0x6f: {  	_ =	swait.ge [sflag:s12], $0x80  }
0x70: {  	[sflag:s12] =	ssyncset.done $0x0  }
0x71: {  	[sflag:s12] =	ssyncadd.s32 $0xFFFFFF80  }
0x72: {  	[tilespmem:s13], [sflag:$0x2] =	stream.indirect.gather [hbm4b:s1+s7], $0x80, s7, s7, $0xb8;
	[tilespmem:$0x1F580] =	vst v63  }
0x73: {  	_ = 	snop  }
0x74: {  	[spmem:s3] =	stream.indirect.scatter.add.f32 [tilespmem:s30], [sflag:$0x5], $0x80, s6, s7, $0xb8;
	[tilespmem:$0x1F580] =	vst v63  }
0x75: {  	_ =	swait.ge [sflag:s31], $0x4000  }
0x76: {  	[sflag:s31] =	ssyncset.done $0x0  }
0x77: {  	[sflag:s31] =	ssyncadd.s32 $0xFFFFC000  }
0x78: {  	[spmem:s4] =	stream.indirect.scatter.add.f32 [tilespmem:s0], [sflag:$0x5], $0x10, s6, s7, $0xb8;
	[tilespmem:$0x1F580] =	vst v63  }
0x79: {  	_ =	swait.ge [sflag:s31], $0x800  }
0x7a: {  	p1 =	sle.u32 s26, $0x2;
	[sflag:s31] =	ssyncset.done $0x0  }
0x7b: {  	s15 =	simm.s32 @p1 $0x2;
	[sflag:s31] =	ssyncadd.s32 $0xFFFFF800  }
0x7c: {  	s16 =	sadd.s32 @!p1 $0x0, s17;
	_ =	swait.ge @p1 [sflag:s15], $0x4000  }
0x7d: {  	s16 =	sadd.s32 @!p1 $0x400, s16;
	[sflag:s15] =	ssyncset.done @p1 $0x0  }
0x7e: {  	s19 =	sadd.s32 @!p1 $0x0, s18;
	[sflag:s15] =	ssyncadd.s32 @p1 $0xFFFFC000;
	s15 =	simm.s32 @!p1 $0x0  }
0x7f: {  	[tilespmem:s15], [sflag:$0x3] =	stream.linear.gather @!p1 [hbm4b:s16+s15], $0x80, $0x38;
	[tilespmem:$0x1F580] =	vst v63  }
0x80: {  	s20 =	simm.s32 @!p1 $0x2;
	s16 =	sadd.s32 @!p1 $0x400, s19;
	s19 =	simm.s32 @!p1 $0x100  }
0x81: {  	[tilespmem:s19], [sflag:$0x3] =	stream.linear.gather @!p1 [hbm4b:s16+s15], $0x80, $0x38;
	[tilespmem:$0x1F580] =	vst v63  }
0x82: {  	_ =	swait.ge @!p1 [sflag:s20], $0x4000  }
0x83: {  	[sflag:s20] =	ssyncset.done @!p1 $0x0  }
0x84: {  	s16 =	simm.s32 @!p1 $0x3;
	[sflag:s20] =	ssyncadd.s32 @!p1 $0xFFFFC000  }
0x85: {  	_ =	swait.ge @!p1 [sflag:s16], $0x80  }
0x86: {  	[sflag:s16] =	ssyncset.done @!p1 $0x0  }
0x87: {  	[sflag:s16] =	ssyncadd.s32 @!p1 $0xFFFFFF80  }
0x88: {  	_ =	swait.ge @!p1 [sflag:s16], $0x80  }
0x89: {  	[sflag:s16] =	ssyncset.done @!p1 $0x0  }
0x8a: {  	s19 =	simm.s32 @!p1 $0x200;
	[sflag:s16] =	ssyncadd.s32 @!p1 $0xFFFFFF80;
	s16 =	simm.s32 @!p1 $0x80  }
0x8b: {  	[tilespmem:s19], [sflag:$0x1] =	stream.indirect.gather @!p1 [hbm4b:s1+s16], $0x80, s15, s16, $0xb8;
	[tilespmem:$0x1F580] =	vst v63  }
0x8c: {  	_ = 	snop  }
0x8d: {  	[spmem:s3] =	stream.indirect.scatter.add.f32 [tilespmem:s13], [sflag:$0x5], $0x80, s8, s7, $0xb8;
	[tilespmem:$0x1F580] =	vst v63  }
0x8e: {  	_ =	swait.ge [sflag:s31], $0x4000  }
0x8f: {  	[sflag:s31] =	ssyncset.done $0x0  }
0x90: {  	p2 =	sle.u32 s26, $0x3;
	[sflag:s31] =	ssyncadd.s32 $0xFFFFC000  }
0x91: {  	[spmem:s4] =	stream.indirect.scatter.add.f32 [tilespmem:s0], [sflag:$0x5], $0x10, s8, s7, $0xb8;
	[tilespmem:$0x1F580] =	vst v63  }
0x92: {  	s21 =	simm.s32 @!p2 $0x180;
	_ =	swait.ge [sflag:s31], $0x800  }
0x93: {  	s20 =	simm.s32 @!p2 $0x0;
	s15 =	sadd.s32 @!p2 $0x0, s17;
	[sflag:s31] =	ssyncset.done $0x0  }
0x94: {  	s16 =	simm.s32 @!p2 $0x80;
	s15 =	sadd.s32 @!p2 $0x600, s15;
	[sflag:s31] =	ssyncadd.s32 $0xFFFFF800  }
0x95: {  	[tilespmem:s16], [sflag:$0x4] =	stream.linear.gather @!p2 [hbm4b:s15+s20], $0x80, $0x38;
	[tilespmem:$0x1F580] =	vst v63  }
0x96: {  	s19 =	sadd.s32 @!p2 $0x0, s18;
	s15 =	simm.s32 $0x3;
	s16 =	simm.s32 $0x400  }
.LBB2_2:
0x97: {  	s22 =	sadd.s32 @!p2 $0x600, s19  }
0x98: {  	s15 =	sadd.s32 $0x2, s15;
	s19 =	smov.u32 s16;
	s16 =	sadd.s32 $0x400, s16  }
0x99: {  	[tilespmem:s21], [sflag:$0x4] =	stream.linear.gather @!p2 [hbm4b:s22+s20], $0x80, $0x38;
	[tilespmem:$0x1F580] =	vst v63  }
0x9a: {  	p1 =	sne.s32 s16, $0x9C00;
	_ =	swait.ge [sflag:s11], $0x4000  }
0x9b: {  	[sflag:s11] =	ssyncset.done $0x0  }
0x9c: {  	[sflag:s11] =	ssyncadd.s32 $0xFFFFC000  }
0x9d: {  	_ =	swait.ge [sflag:s12], $0x80  }
0x9e: {  	[sflag:s12] =	ssyncset.done $0x0  }
0x9f: {  	[sflag:s12] =	ssyncadd.s32 $0xFFFFFF80  }
0xa0: {  	_ =	swait.ge [sflag:s12], $0x80  }
0xa1: {  	[sflag:s12] =	ssyncset.done $0x0  }
0xa2: {  	[sflag:s12] =	ssyncadd.s32 $0xFFFFFF80  }
0xa3: {  	[tilespmem:s13], [sflag:$0x2] =	stream.indirect.gather [hbm4b:s1+s7], $0x80, s7, s7, $0xb8;
	[tilespmem:$0x1F580] =	vst v63  }
0xa4: {  	_ = 	snop  }
0xa5: {  	[spmem:s3] =	stream.indirect.scatter.add.f32 [tilespmem:s30], [sflag:$0x5], $0x80, s6, s7, $0xb8;
	[tilespmem:$0x1F580] =	vst v63  }
0xa6: {  	_ =	swait.ge [sflag:s31], $0x4000  }
0xa7: {  	[sflag:s31] =	ssyncset.done $0x0  }
0xa8: {  	[sflag:s31] =	ssyncadd.s32 $0xFFFFC000  }
0xa9: {  	[spmem:s4] =	stream.indirect.scatter.add.f32 [tilespmem:s0], [sflag:$0x5], $0x10, s6, s7, $0xb8;
	[tilespmem:$0x1F580] =	vst v63  }
0xaa: {  	s20 =	sadd.s32 $0xFFFFFFFF, s15;
	_ =	swait.ge [sflag:s31], $0x800  }
0xab: {  	p2 =	sge.u32 s20, s26;
	[sflag:s31] =	ssyncset.done $0x0  }
0xac: {  	s20 =	simm.s32 @p2 $0x2;
	s21 =	sadd.s32 @!p2 s19, s17;
	[sflag:s31] =	ssyncadd.s32 $0xFFFFF800  }
0xad: {  	s22 =	sadd.s32 @!p2 s19, s18;
	s21 =	sadd.s32 @!p2 $0x400, s21;
	_ =	swait.ge @p2 [sflag:s20], $0x4000  }
0xae: {  	s22 =	sadd.s32 @!p2 $0x400, s22;
	[sflag:s20] =	ssyncset.done @p2 $0x0  }
0xaf: {  	[sflag:s20] =	ssyncadd.s32 @p2 $0xFFFFC000;
	s20 =	simm.s32 @!p2 $0x0  }
0xb0: {  	[tilespmem:s20], [sflag:$0x3] =	stream.linear.gather @!p2 [hbm4b:s21+s20], $0x80, $0x38;
	[tilespmem:$0x1F580] =	vst v63  }
0xb1: {  	s23 =	simm.s32 @!p2 $0x2;
	s21 =	simm.s32 @!p2 $0x100  }
0xb2: {  	[tilespmem:s21], [sflag:$0x3] =	stream.linear.gather @!p2 [hbm4b:s22+s20], $0x80, $0x38;
	[tilespmem:$0x1F580] =	vst v63  }
0xb3: {  	_ =	swait.ge @!p2 [sflag:s23], $0x4000  }
0xb4: {  	[sflag:s23] =	ssyncset.done @!p2 $0x0  }
0xb5: {  	s21 =	simm.s32 @!p2 $0x3;
	[sflag:s23] =	ssyncadd.s32 @!p2 $0xFFFFC000  }
0xb6: {  	_ =	swait.ge @!p2 [sflag:s21], $0x80  }
0xb7: {  	[sflag:s21] =	ssyncset.done @!p2 $0x0  }
0xb8: {  	[sflag:s21] =	ssyncadd.s32 @!p2 $0xFFFFFF80  }
0xb9: {  	_ =	swait.ge @!p2 [sflag:s21], $0x80  }
0xba: {  	[sflag:s21] =	ssyncset.done @!p2 $0x0  }
0xbb: {  	s22 =	simm.s32 @!p2 $0x200;
	[sflag:s21] =	ssyncadd.s32 @!p2 $0xFFFFFF80;
	s21 =	simm.s32 @!p2 $0x80  }
0xbc: {  	[tilespmem:s22], [sflag:$0x1] =	stream.indirect.gather @!p2 [hbm4b:s1+s21], $0x80, s20, s21, $0xb8;
	[tilespmem:$0x1F580] =	vst v63  }
0xbd: {  	_ = 	snop  }
0xbe: {  	[spmem:s3] =	stream.indirect.scatter.add.f32 [tilespmem:s13], [sflag:$0x5], $0x80, s8, s7, $0xb8;
	[tilespmem:$0x1F580] =	vst v63  }
0xbf: {  	_ =	swait.ge [sflag:s31], $0x4000  }
0xc0: {  	[sflag:s31] =	ssyncset.done $0x0  }
0xc1: {  	[sflag:s31] =	ssyncadd.s32 $0xFFFFC000  }
0xc2: {  	[spmem:s4] =	stream.indirect.scatter.add.f32 [tilespmem:s0], [sflag:$0x5], $0x10, s8, s7, $0xb8;
	[tilespmem:$0x1F580] =	vst v63  }
.Ltmp0:
0xc3: {  	p2 =	sge.u32 s15, s26;
	_ =	swait.ge [sflag:s31], $0x800;
	(pc) =	sbr.rel @p1 .LBB2_2-.Ltmp0, $4  }
0xc4: {  	s21 =	sadd.s32 @!p2 s19, s17;
	s20 =	simm.s32 @!p2 $0x0;
	[sflag:s31] =	ssyncset.done $0x0  }
0xc5: {  	s22 =	simm.s32 @!p2 $0x80;
	s21 =	sadd.s32 @!p2 $0x600, s21;
	[sflag:s31] =	ssyncadd.s32 $0xFFFFF800  }
0xc6: {  	[tilespmem:s22], [sflag:$0x4] =	stream.linear.gather @!p2 [hbm4b:s21+s20], $0x80, $0x38;
	[tilespmem:$0x1F580] =	vst v63  }
0xc7: {  	s19 =	sadd.s32 @!p2 s19, s18;
	s21 =	simm.s32 @!p2 $0x180  }
0xc8: {  	s15 =	sadd.s32 @!p2 $0x600, s19  }
0xc9: {  	[tilespmem:s21], [sflag:$0x4] =	stream.linear.gather @!p2 [hbm4b:s15+s20], $0x80, $0x38;
	[tilespmem:$0x1F580] =	vst v63  }
0xca: {  	s15 =	simm.s32 @!p0 $0x1  }
0xcb: {  	_ =	swait.ge @!p0 [sflag:s15], $0x4000  }
0xcc: {  	s16 =	simm.s32 @!p0 $0x100;
	[sflag:s15] =	ssyncset.done @!p0 $0x0  }
0xcd: {  	s19 =	simm.s32 @!p0 $0x200;
	[sflag:s15] =	ssyncadd.s32 @!p0 $0xFFFFC000;
	s15 =	simm.s32 @!p0 $0x80  }
0xce: {  	[spmem:s3] =	stream.indirect.scatter.add.f32 @!p0 [tilespmem:s19], [sflag:$0x5], $0x80, s16, s15, $0xb8;
	[tilespmem:$0x1F580] =	vst v63  }
0xcf: {  	s19 =	simm.s32 @!p0 $0x5  }
0xd0: {  	_ =	swait.ge @!p0 [sflag:s19], $0x4000  }
0xd1: {  	[sflag:s19] =	ssyncset.done @!p0 $0x0  }
0xd2: {  	s20 =	simm.s32 @!p0 $0x8200;
	[sflag:s19] =	ssyncadd.s32 @!p0 $0xFFFFC000  }
0xd3: {  	[spmem:s4] =	stream.indirect.scatter.add.f32 @!p0 [tilespmem:s20], [sflag:$0x5], $0x10, s16, s15, $0xb8;
	[tilespmem:$0x1F580] =	vst v63  }
0xd4: {  	_ =	swait.ge @!p0 [sflag:s19], $0x800  }
0xd5: {  	s20 =	stileid.u32;
	[sflag:s19] =	ssyncset.done @!p0 $0x0  }
0xd6: {  	s15 =	sshll.u32 s20, $0x6;
	[sflag:s19] =	ssyncadd.s32 @!p0 $0xFFFFF800  }
0xd7: {  	s21 =	sshrl.u32 s9, $0x3;
	s15 =	sor.u32 $0x1C05, s15;
	[bflag:$0x0] =	sbarrier.arrive $0xFFFF  }
0xd8: {  	[hbm:s28], [sflag:s15] =	dma.local [spmem:s21], $0x2780  }
0xd9: {  	s14 =	sadd.s32 $0x1, s14;
	_ =	swait.ge [sflag:s31], $0x2780  }
0xda: {  	s22 =	sshrl.u32 s10, $0x3;
	p1 =	sne.s32 s14, s29;
	[sflag:s31] =	ssyncset.done $0x0  }
.Ltmp1:
0xdb: {  	s23 =	rddreg [dreg:$0xd];
	[sflag:s31] =	ssyncadd.s32 $0xFFFFD880;
	(pc) =	sbr.rel @p1 .LBB2_1-.Ltmp1, $4  }
0xdc: {  	[hbm:s23], [sflag:s15] =	dma.local [spmem:s22], $0x4F0  }
0xdd: {  	_ =	swait.ge [sflag:s31], $0x4F0  }
0xde: {  	[sflag:s31] =	ssyncset.done $0x0  }
0xdf: {  	[sflag:s31] =	ssyncadd.s32 $0xFFFFFB10  }
0xe0: {  	_ =	sfence.sel $0x180000  }
0xe1: {  	[bflag:$0x0] =	sbarrier.arrive $0xFFFF  }
0xe2: {  	_ =	strace $0x90000047  }
0xe3: {  	s0 =	stileid.u32;
	[bflag:$0x2] =	sbarrier.arrive $0xFFFF  }
0xe4: {  	p0 =	sne.s32 s0, $0x0;
	s0 =	rddreg [dreg:$0x5]  }
0xe5: {  	s0 =	sadd.s32 @!p0 $0x100000, s0  }
0xe6: {  	[sflag:s0] =	ssyncadd.tile.s32 @!p0 $0x1;
	_ =	shalt  }
.Lfunc_end2:
_tile_overlayer_lowered:
.L_overlay_start_2:
0xe7: {  	(tag) =	ssettag $0x2  }
0xe8: {  	s0 =	rddreg [dreg:$0x0];
	s2 =	stileid.u32  }
0xe9: {  	s1 =	rddreg [dreg:$0x1];
	p0 =	sne.s32 s2, $0x0  }
0xea: {  	s3 =	rddreg [dreg:$0x2];
	[bflag:$0x3] =	sbarrier.arrive $0xFFFF;
	s2 =	simm.s32 @!p0 $0x1C05  }
0xeb: {  	[timem:s3], [sflag:s2] =	dma.local @!p0 [hbm:s0], s1  }
0xec: {  	s0 =	simm.s32 @!p0 $0x5  }
0xed: {  	_ =	swait.ge @!p0 [sflag:s0], s1  }
0xee: {  	s1 =	ssub.s32 @!p0 $0x0, s1;
	[sflag:s0] =	ssyncset.done @!p0 $0x0  }
0xef: {  	[sflag:s0] =	ssyncadd.s32 @!p0 s1  }
0xf0: {  	[bflag:$0x3] =	sbarrier.arrive $0xFFFF  }
0xf1: {  	_ =	shalt  }

</sc_bundles>
